<compile_context>
chip_gen: v7x
topology: tpu7x:2x2x1
jax: 0.10.2.dev20260603
libtpu: 0.0.44.dev20260713+nightly
codegen_flags: <defaults>
</compile_context>

<pallas_src>
import functools
import numpy as np
import jax
import jax.numpy as jnp
from jax import lax
from jax.experimental import pallas as pl
from jax.experimental.pallas import tpu as pltpu
from jax.experimental.pallas import tpu_sc as plsc

N_SPARSE = 26
N_DENSE = 13
VOCAB = 100000
EMB = 4
NF = N_SPARSE + N_DENSE
FP = 128
B = 16384
BN_EPS = 0.001

_ti, _tj = np.triu_indices(NF, k=1)
NP = _ti.shape[0]
NPP = 768

_SEL = np.zeros((N_SPARSE * EMB, EMB * FP), np.float32)
for f in range(N_SPARSE):
    for k in range(EMB):
        _SEL[f * EMB + k, k * FP + f] = 1.0

_MERGE = np.zeros((32, EMB, FP), np.float32)
for j in range(32):
    for k in range(EMB):
        _MERGE[j, k, j * EMB + k] = 1.0

_U = np.zeros((NPP, FP), np.float32)
_V = np.zeros((NPP, FP), np.float32)
_U[np.arange(NP), _ti] = 1.0
_V[np.arange(NP), _tj] = 1.0

_NW = 32
_CHUNK = 128
_ELEMS = B * N_SPARSE * EMB
_NCH = _ELEMS // _CHUNK
_CPW = _NCH // _NW
_GRP = 8


def _sc_gather(tflat, gidx):
    mesh = plsc.VectorSubcoreMesh(core_axis_name="c", subcore_axis_name="s")

    @functools.partial(
        pl.kernel,
        mesh=mesh,
        out_type=jax.ShapeDtypeStruct((_NW, _CPW, _CHUNK), jnp.float32),
        scratch_types=[
            pltpu.VMEM((_CPW, _CHUNK), jnp.int32),
            pltpu.VMEM((_CPW, _CHUNK), jnp.float32),
            pltpu.SemaphoreType.DMA,
        ],
    )
    def gather_kernel(tab, idx_hbm, out_hbm, idx_v, plane, sem):
        wid = lax.axis_index("s") * 2 + lax.axis_index("c")
        pltpu.sync_copy(idx_hbm.at[pl.ds(wid * _CPW, _CPW)], idx_v)

        def body(g, carry):
            copies = []
            for b in range(_GRP):
                j = g * _GRP + b
                copies.append(
                    pltpu.async_copy(tab.at[idx_v.at[j]],
                                     plane.at[j], sem))
            for c in copies:
                c.wait()
            return carry

        lax.fori_loop(0, _CPW // _GRP, body, 0)
        pltpu.sync_copy(plane, out_hbm.at[wid])

    return gather_kernel(tflat, gidx)


_BT = 2048
_NB = B // _BT


def _stats_body(emb_ref, x_ref, w_ref, sel_ref, m1_ref, m2_ref):
    emb = emb_ref[...]
    dense = x_ref[...] * w_ref[0:1, :]
    eall = jnp.dot(emb, sel_ref[...], preferred_element_type=jnp.float32)

    @pl.when(pl.program_id(0) == 0)
    def _():
        m1_ref[...] = jnp.zeros_like(m1_ref)
        m2_ref[...] = jnp.zeros_like(m2_ref)

    eks = [eall[:, k * FP:(k + 1) * FP] + dense for k in range(EMB)]
    dn = (((0,), (0,)), ((), ()))
    m1 = jnp.zeros((FP, FP), jnp.float32)
    m2 = jnp.zeros((FP, FP), jnp.float32)
    for k in range(EMB):
        m1 += lax.dot_general(eks[k], eks[k], dn,
                              preferred_element_type=jnp.float32)
        for l in range(k, EMB):
            f = eks[k] * eks[l]
            coef = 1.0 if l == k else 2.0
            m2 += coef * lax.dot_general(f, f, dn,
                                         preferred_element_type=jnp.float32)
    m1_ref[...] += m1
    m2_ref[...] += m2


def _pair_body(m1_ref, m2_ref, beta_ref, u_ref, v_ref, s_ref, c_ref):
    inv_b = 1.0 / B
    m1 = m1_ref[...] * inv_b
    m2 = m2_ref[...] * inv_b
    u = u_ref[...]
    v = v_ref[...]
    meanv = jnp.sum(jnp.dot(u, m1, preferred_element_type=jnp.float32) * v,
                    axis=1, keepdims=True)
    m2v = jnp.sum(jnp.dot(u, m2, preferred_element_type=jnp.float32) * v,
                  axis=1, keepdims=True)
    var = m2v - meanv * meanv
    w = jnp.tanh(beta_ref[...]) * lax.rsqrt(var + BN_EPS)
    dn = (((0,), (0,)), ((), ()))
    s = (lax.dot_general(u * w, v, dn, preferred_element_type=jnp.float32)
         + lax.dot_general(v * w, u, dn, preferred_element_type=jnp.float32))
    s_ref[...] = s
    c_ref[...] = jnp.full((8, FP), jnp.sum(w * meanv), jnp.float32)


def _out_body(emb_ref, x_ref, w_ref, sel_ref, s_ref, c_ref, o_ref):
    emb = emb_ref[...]
    dense = x_ref[...] * w_ref[0:1, :]
    eall = jnp.dot(emb, sel_ref[...], preferred_element_type=jnp.float32)
    s = s_ref[...]
    acc = jnp.zeros((_BT, 1), jnp.float32)
    for k in range(EMB):
        ek = eall[:, k * FP:(k + 1) * FP] + dense
        t = jnp.dot(ek, s, preferred_element_type=jnp.float32)
        acc += jnp.sum(t * ek, axis=1, keepdims=True)
    o_ref[...] = 0.5 * acc - c_ref[0:1, 0:1]


def kernel(X, tables, weight, beta):
    idx = X[:, :N_SPARSE].astype(jnp.int32)
    offs = (jnp.arange(N_SPARSE, dtype=jnp.int32) * VOCAB)[None, :]
    rowid = idx + offs
    gidx = (rowid[:, :, None] * EMB
            + jnp.arange(EMB, dtype=jnp.int32)[None, None, :]
            ).reshape(_NCH, _CHUNK)
    t3d = tables.reshape(VOCAB * N_SPARSE * EMB // FP, 32, EMB)
    t2 = lax.dot_general(t3d, jnp.asarray(_MERGE),
                         (((1, 2), (0, 1)), ((), ())),
                         preferred_element_type=jnp.float32)
    tflat = t2.reshape(N_SPARSE * VOCAB * EMB)

    xpad = jnp.pad(X, ((0, 0), (0, FP - NF)))
    wrow = jnp.zeros((FP,), jnp.float32).at[N_SPARSE:NF].set(weight[:, 0])
    wrow = jnp.broadcast_to(wrow[None, :], (8, FP))
    beta_pad = jnp.zeros((NPP, 1), jnp.float32).at[:NP, 0].set(beta)
    sel = jnp.asarray(_SEL)
    u = jnp.asarray(_U)
    v = jnp.asarray(_V)

    emb = _sc_gather(tflat, gidx).reshape(B, N_SPARSE * EMB)

    m1, m2 = pl.pallas_call(
        _stats_body,
        grid=(_NB,),
        in_specs=[
            pl.BlockSpec((_BT, N_SPARSE * EMB), lambda i: (i, 0)),
            pl.BlockSpec((_BT, FP), lambda i: (i, 0)),
            pl.BlockSpec((8, FP), lambda i: (0, 0)),
            pl.BlockSpec((N_SPARSE * EMB, EMB * FP), lambda i: (0, 0)),
        ],
        out_specs=[
            pl.BlockSpec((FP, FP), lambda i: (0, 0)),
            pl.BlockSpec((FP, FP), lambda i: (0, 0)),
        ],
        out_shape=[
            jax.ShapeDtypeStruct((FP, FP), jnp.float32),
            jax.ShapeDtypeStruct((FP, FP), jnp.float32),
        ],
        compiler_params=pltpu.CompilerParams(
            dimension_semantics=("arbitrary",)),
    )(emb, xpad, wrow, sel)

    s, cvec = pl.pallas_call(
        _pair_body,
        out_shape=[
            jax.ShapeDtypeStruct((FP, FP), jnp.float32),
            jax.ShapeDtypeStruct((8, FP), jnp.float32),
        ],
    )(m1, m2, beta_pad, u, v)

    out = pl.pallas_call(
        _out_body,
        grid=(_NB,),
        in_specs=[
            pl.BlockSpec((_BT, N_SPARSE * EMB), lambda i: (i, 0)),
            pl.BlockSpec((_BT, FP), lambda i: (i, 0)),
            pl.BlockSpec((8, FP), lambda i: (0, 0)),
            pl.BlockSpec((N_SPARSE * EMB, EMB * FP), lambda i: (0, 0)),
            pl.BlockSpec((FP, FP), lambda i: (0, 0)),
            pl.BlockSpec((8, FP), lambda i: (0, 0)),
        ],
        out_specs=pl.BlockSpec((_BT, 1), lambda i: (i, 0)),
        out_shape=jax.ShapeDtypeStruct((B, 1), jnp.float32),
    )(emb, xpad, wrow, sel, s, cvec)
    return out

# --- scband reference (transcript-rebuilt; emitter-appended) ---
"""Pipeline reference for scband-normalized-weighted-fmlayer-83511344103541 (READ-ONLY COPY).

The authoritative reference and input builder live on the scoring server;
editing this copy changes nothing except your own understanding.
"""

import jax, jax.numpy as jnp
import numpy as np

N_SPARSE = 26
N_DENSE = 13
VOCAB = 100000
EMB = 4
B = 16384
INPUT_DIM = N_SPARSE + N_DENSE  # 39 fields
_ti, _tj = np.triu_indices(INPUT_DIM, k=1)
FEAT_I = np.asarray(_ti, dtype=np.int32)  # [741] (np: avoids eager device array at import under mock-TPU tooling)
FEAT_J = np.asarray(_tj, dtype=np.int32)  # [741]
N_PAIRS = FEAT_I.shape[0]
BN_EPS = 0.001


def setup_inputs(seed: int = 0) -> dict:
    key = jax.random.key(seed)
    k1, k2, k3, k4, k5 = jax.random.split(key, 5)
    # X: first 26 columns are sparse ids (stored as float, module does .long()),
    # last 13 columns are dense values
    sparse_ids = jax.random.randint(k1, (B, N_SPARSE), 0, VOCAB)
    dense_vals = jax.random.normal(k2, (B, N_DENSE), dtype=jnp.float32)
    X = jnp.concatenate([sparse_ids.astype(jnp.float32), dense_vals], axis=1)
    # learned params sized per init (init_std=1e-4)
    tables = jax.random.normal(k3, (N_SPARSE, VOCAB, EMB), dtype=jnp.float32) * 1e-4
    weight = jax.random.normal(k4, (N_DENSE, 1), dtype=jnp.float32) * 1e-4
    # beta ~ Uniform(mean - radius, mean + radius)
    beta = 0.5 + (jax.random.uniform(k5, (N_PAIRS,), dtype=jnp.float32) * 2.0 - 1.0) * 0.001
    return {"X": X, "tables": tables, "weight": weight, "beta": beta}


def reference(X, tables, weight, beta):
    bsz = X.shape[0]
    # sparse embedding lookups: per-field table gather -> [B, 26, 4]
    idx = X[:, :N_SPARSE].astype(jnp.int32)
    field_ids = jnp.arange(N_SPARSE, dtype=jnp.int32)[None, :]  # [1, 26]
    sparse_emb = tables[field_ids, idx]  # [B, 26, 4]
    # dense part: value * weight, padded/broadcast to embedding dim 4
    dense_vals = X[:, N_SPARSE:]  # [B, 13]
    weight_dense = dense_vals[:, :, None] * weight[None, :, :]  # [B, 13, 1]
    weight_dense_pad = jnp.broadcast_to(weight_dense, (bsz, N_DENSE, EMB))  # [B, 13, 4]
    embed_matrix = jnp.concatenate([sparse_emb, weight_dense_pad], axis=1)  # [B, 39, 4]
    # pairwise field interactions
    embed_i = jnp.take(embed_matrix, FEAT_I, axis=1)  # [B, 741, 4]
    embed_j = jnp.take(embed_matrix, FEAT_J, axis=1)  # [B, 741, 4]
    embed_product = jnp.sum(embed_i * embed_j, axis=2)  # [B, 741]
    # BatchNorm1d(affine=False) in training mode: normalize with batch stats (biased var)
    mean = jnp.mean(embed_product, axis=0)
    var = jnp.var(embed_product, axis=0)
    normed = (embed_product - mean) / jnp.sqrt(var + BN_EPS)
    weighted = normed * jnp.tanh(beta)[None, :]
    return jnp.sum(weighted, axis=1, keepdims=True)  # [B, 1]

if __name__ == "__main__":
    import jax
    _d = setup_inputs()
    print(jax.jit(kernel)(*tuple(_d.values())))

</pallas_src>

<mosaic_0001>
#map = affine_map<(d0, d1) -> (0)>
#map1 = affine_map<(d0, d1) -> (0, 0)>
#map2 = affine_map<(d0, d1) -> (0, 0, 0)>
module attributes {stable_mosaic.version = 14 : i64} {
  func.func @gather_kernel(%arg0: i32, %arg1: i32, %arg2: memref<10400000xf32, #tpu.memory_space<hbm>>, %arg3: memref<13312x128xi32, #tpu.memory_space<hbm>>, %arg4: memref<32x416x128xf32, #tpu.memory_space<hbm>>, %arg5: memref<416x128xi32, #tpu.memory_space<vmem>>, %arg6: memref<416x128xf32, #tpu.memory_space<vmem>>, %arg7: memref<!tpu.dma_semaphore, #tpu.memory_space<semaphore_mem>>) attributes {dimension_semantics = [#tpu.dimension_semantics<core_parallel>, #tpu.dimension_semantics<subcore_parallel>], iteration_bounds = array<i64: 2, 16>, scalar_prefetch = 0 : i64, scratch_operands = 3 : i64, tpu.core_type = #tpu.core_type<sc_vector_subcore>, window_params = [{transform_indices = #map}, {transform_indices = #map1}, {transform_indices = #map2}]} {
    %mul3A = arith.constant 2 : i32
    %mul3A_0 = arith.muli %arg1, %mul3A : i32
    %add3A = arith.addi %mul3A_0, %arg0 : i32
    %mul3A_1 = arith.constant 416 : i32
    %mul3A_2 = arith.muli %add3A, %mul3A_1 : i32
    "tpu.region"() ({
      %run_scoped3A = tpu.sem_alloc : memref<!tpu.dma_semaphore, #tpu.memory_space<semaphore_mem>>
      %dma_start3A = arith.constant 0 : i32
      %dma_start3A_8 = tpu.memref_slice %arg3[%mul3A_2, %dma_start3A] : memref<13312x128xi32, #tpu.memory_space<hbm>> -> memref<416x128xi32, #tpu.memory_space<hbm>>
      %dma_start3A_9 = arith.constant 0 : i32
      %dma_start3A_10 = tpu.memref_slice %arg3[%mul3A_2, %dma_start3A_9] : memref<13312x128xi32, #tpu.memory_space<hbm>> -> memref<416x128xi32, #tpu.memory_space<hbm>>
      tpu.enqueue_dma source(%dma_start3A_10 : memref<416x128xi32, #tpu.memory_space<hbm>>) target(%arg5 : memref<416x128xi32, #tpu.memory_space<vmem>>) target_semaphore(%run_scoped3A : memref<!tpu.dma_semaphore, #tpu.memory_space<semaphore_mem>>)
      %dma_wait3A = arith.constant 0 : i32
      %dma_wait3A_11 = tpu.memref_slice %arg3[%mul3A_2, %dma_wait3A] : memref<13312x128xi32, #tpu.memory_space<hbm>> -> memref<416x128xi32, #tpu.memory_space<hbm>>
      %dma_wait3A_12 = arith.constant 0 : i32
      %dma_wait3A_13 = tpu.memref_slice %arg3[%mul3A_2, %dma_wait3A_12] : memref<13312x128xi32, #tpu.memory_space<hbm>> -> memref<416x128xi32, #tpu.memory_space<hbm>>
      tpu.wait_dma2 semaphore(%run_scoped3A : memref<!tpu.dma_semaphore, #tpu.memory_space<semaphore_mem>>) src(%dma_wait3A_13 : memref<416x128xi32, #tpu.memory_space<hbm>>) dst(%arg5 : memref<416x128xi32, #tpu.memory_space<vmem>>)
      tpu.yield
    }) : () -> ()
    %scan3A = arith.constant 0 : i32
    %scan3A_3 = arith.constant 0 : i32
    %scan3A_4 = arith.constant 52 : i32
    %scan3A_5 = arith.addi %scan3A_3, %scan3A_4 : i32
    %scan3A_6 = arith.constant 1 : i32
    scf.for %scan3A_8 = %scan3A_3 to %scan3A_5 step %scan3A_6  : i32 {
      %mul3A_9 = arith.constant 8 : i32
      %mul3A_10 = arith.muli %scan3A_8, %mul3A_9 : i32
      %add3A_11 = arith.constant 0 : i32
      %add3A_12 = arith.addi %mul3A_10, %add3A_11 : i32
      %dma_start3A = arith.constant 0 : i32
      %dma_start3A_13 = tpu.memref_slice %arg6[%add3A_12, %dma_start3A] : memref<416x128xf32, #tpu.memory_space<vmem>> -> memref<1x128xf32, #tpu.memory_space<vmem>>
      %dma_start3A_14 = tpu.memref_squeeze %dma_start3A_13 : memref<1x128xf32, #tpu.memory_space<vmem>> -> memref<128xf32, #tpu.memory_space<vmem>>
      %dma_start3A_15 = arith.constant 0 : i32
      %dma_start3A_16 = tpu.memref_slice %arg5[%add3A_12, %dma_start3A_15] : memref<416x128xi32, #tpu.memory_space<vmem>> -> memref<1x128xi32, #tpu.memory_space<vmem>>
      %dma_start3A_17 = tpu.memref_squeeze %dma_start3A_16 : memref<1x128xi32, #tpu.memory_space<vmem>> -> memref<128xi32, #tpu.memory_space<vmem>>
      %dma_start3A_18 = arith.constant 0 : i32
      %dma_start3A_19 = tpu.memref_slice %arg2[%dma_start3A_18] : memref<10400000xf32, #tpu.memory_space<hbm>> -> memref<10400000xf32, #tpu.memory_space<hbm>>
      tpu.enqueue_indirect_dma source(%dma_start3A_19 : memref<10400000xf32, #tpu.memory_space<hbm>>) target(%dma_start3A_14 : memref<128xf32, #tpu.memory_space<vmem>>) offsets(%dma_start3A_17 : memref<128xi32, #tpu.memory_space<vmem>>) semaphore(%arg7 : memref<!tpu.dma_semaphore, #tpu.memory_space<semaphore_mem>>)
      %mul3A_20 = arith.constant 8 : i32
      %mul3A_21 = arith.muli %scan3A_8, %mul3A_20 : i32
      %add3A_22 = arith.constant 1 : i32
      %add3A_23 = arith.addi %mul3A_21, %add3A_22 : i32
      %dma_start3A_24 = arith.constant 0 : i32
      %dma_start3A_25 = tpu.memref_slice %arg6[%add3A_23, %dma_start3A_24] : memref<416x128xf32, #tpu.memory_space<vmem>> -> memref<1x128xf32, #tpu.memory_space<vmem>>
      %dma_start3A_26 = tpu.memref_squeeze %dma_start3A_25 : memref<1x128xf32, #tpu.memory_space<vmem>> -> memref<128xf32, #tpu.memory_space<vmem>>
      %dma_start3A_27 = arith.constant 0 : i32
      %dma_start3A_28 = tpu.memref_slice %arg5[%add3A_23, %dma_start3A_27] : memref<416x128xi32, #tpu.memory_space<vmem>> -> memref<1x128xi32, #tpu.memory_space<vmem>>
      %dma_start3A_29 = tpu.memref_squeeze %dma_start3A_28 : memref<1x128xi32, #tpu.memory_space<vmem>> -> memref<128xi32, #tpu.memory_space<vmem>>
      %dma_start3A_30 = arith.constant 0 : i32
      %dma_start3A_31 = tpu.memref_slice %arg2[%dma_start3A_30] : memref<10400000xf32, #tpu.memory_space<hbm>> -> memref<10400000xf32, #tpu.memory_space<hbm>>
      tpu.enqueue_indirect_dma source(%dma_start3A_31 : memref<10400000xf32, #tpu.memory_space<hbm>>) target(%dma_start3A_26 : memref<128xf32, #tpu.memory_space<vmem>>) offsets(%dma_start3A_29 : memref<128xi32, #tpu.memory_space<vmem>>) semaphore(%arg7 : memref<!tpu.dma_semaphore, #tpu.memory_space<semaphore_mem>>)
      %mul3A_32 = arith.constant 8 : i32
      %mul3A_33 = arith.muli %scan3A_8, %mul3A_32 : i32
      %add3A_34 = arith.constant 2 : i32
      %add3A_35 = arith.addi %mul3A_33, %add3A_34 : i32
      %dma_start3A_36 = arith.constant 0 : i32
      %dma_start3A_37 = tpu.memref_slice %arg6[%add3A_35, %dma_start3A_36] : memref<416x128xf32, #tpu.memory_space<vmem>> -> memref<1x128xf32, #tpu.memory_space<vmem>>
      %dma_start3A_38 = tpu.memref_squeeze %dma_start3A_37 : memref<1x128xf32, #tpu.memory_space<vmem>> -> memref<128xf32, #tpu.memory_space<vmem>>
      %dma_start3A_39 = arith.constant 0 : i32
      %dma_start3A_40 = tpu.memref_slice %arg5[%add3A_35, %dma_start3A_39] : memref<416x128xi32, #tpu.memory_space<vmem>> -> memref<1x128xi32, #tpu.memory_space<vmem>>
      %dma_start3A_41 = tpu.memref_squeeze %dma_start3A_40 : memref<1x128xi32, #tpu.memory_space<vmem>> -> memref<128xi32, #tpu.memory_space<vmem>>
      %dma_start3A_42 = arith.constant 0 : i32
      %dma_start3A_43 = tpu.memref_slice %arg2[%dma_start3A_42] : memref<10400000xf32, #tpu.memory_space<hbm>> -> memref<10400000xf32, #tpu.memory_space<hbm>>
      tpu.enqueue_indirect_dma source(%dma_start3A_43 : memref<10400000xf32, #tpu.memory_space<hbm>>) target(%dma_start3A_38 : memref<128xf32, #tpu.memory_space<vmem>>) offsets(%dma_start3A_41 : memref<128xi32, #tpu.memory_space<vmem>>) semaphore(%arg7 : memref<!tpu.dma_semaphore, #tpu.memory_space<semaphore_mem>>)
      %mul3A_44 = arith.constant 8 : i32
      %mul3A_45 = arith.muli %scan3A_8, %mul3A_44 : i32
      %add3A_46 = arith.constant 3 : i32
      %add3A_47 = arith.addi %mul3A_45, %add3A_46 : i32
      %dma_start3A_48 = arith.constant 0 : i32
      %dma_start3A_49 = tpu.memref_slice %arg6[%add3A_47, %dma_start3A_48] : memref<416x128xf32, #tpu.memory_space<vmem>> -> memref<1x128xf32, #tpu.memory_space<vmem>>
      %dma_start3A_50 = tpu.memref_squeeze %dma_start3A_49 : memref<1x128xf32, #tpu.memory_space<vmem>> -> memref<128xf32, #tpu.memory_space<vmem>>
      %dma_start3A_51 = arith.constant 0 : i32
      %dma_start3A_52 = tpu.memref_slice %arg5[%add3A_47, %dma_start3A_51] : memref<416x128xi32, #tpu.memory_space<vmem>> -> memref<1x128xi32, #tpu.memory_space<vmem>>
      %dma_start3A_53 = tpu.memref_squeeze %dma_start3A_52 : memref<1x128xi32, #tpu.memory_space<vmem>> -> memref<128xi32, #tpu.memory_space<vmem>>
      %dma_start3A_54 = arith.constant 0 : i32
      %dma_start3A_55 = tpu.memref_slice %arg2[%dma_start3A_54] : memref<10400000xf32, #tpu.memory_space<hbm>> -> memref<10400000xf32, #tpu.memory_space<hbm>>
      tpu.enqueue_indirect_dma source(%dma_start3A_55 : memref<10400000xf32, #tpu.memory_space<hbm>>) target(%dma_start3A_50 : memref<128xf32, #tpu.memory_space<vmem>>) offsets(%dma_start3A_53 : memref<128xi32, #tpu.memory_space<vmem>>) semaphore(%arg7 : memref<!tpu.dma_semaphore, #tpu.memory_space<semaphore_mem>>)
      %mul3A_56 = arith.constant 8 : i32
      %mul3A_57 = arith.muli %scan3A_8, %mul3A_56 : i32
      %add3A_58 = arith.constant 4 : i32
      %add3A_59 = arith.addi %mul3A_57, %add3A_58 : i32
      %dma_start3A_60 = arith.constant 0 : i32
      %dma_start3A_61 = tpu.memref_slice %arg6[%add3A_59, %dma_start3A_60] : memref<416x128xf32, #tpu.memory_space<vmem>> -> memref<1x128xf32, #tpu.memory_space<vmem>>
      %dma_start3A_62 = tpu.memref_squeeze %dma_start3A_61 : memref<1x128xf32, #tpu.memory_space<vmem>> -> memref<128xf32, #tpu.memory_space<vmem>>
      %dma_start3A_63 = arith.constant 0 : i32
      %dma_start3A_64 = tpu.memref_slice %arg5[%add3A_59, %dma_start3A_63] : memref<416x128xi32, #tpu.memory_space<vmem>> -> memref<1x128xi32, #tpu.memory_space<vmem>>
      %dma_start3A_65 = tpu.memref_squeeze %dma_start3A_64 : memref<1x128xi32, #tpu.memory_space<vmem>> -> memref<128xi32, #tpu.memory_space<vmem>>
      %dma_start3A_66 = arith.constant 0 : i32
      %dma_start3A_67 = tpu.memref_slice %arg2[%dma_start3A_66] : memref<10400000xf32, #tpu.memory_space<hbm>> -> memref<10400000xf32, #tpu.memory_space<hbm>>
      tpu.enqueue_indirect_dma source(%dma_start3A_67 : memref<10400000xf32, #tpu.memory_space<hbm>>) target(%dma_start3A_62 : memref<128xf32, #tpu.memory_space<vmem>>) offsets(%dma_start3A_65 : memref<128xi32, #tpu.memory_space<vmem>>) semaphore(%arg7 : memref<!tpu.dma_semaphore, #tpu.memory_space<semaphore_mem>>)
      %mul3A_68 = arith.constant 8 : i32
      %mul3A_69 = arith.muli %scan3A_8, %mul3A_68 : i32
      %add3A_70 = arith.constant 5 : i32
      %add3A_71 = arith.addi %mul3A_69, %add3A_70 : i32
      %dma_start3A_72 = arith.constant 0 : i32
      %dma_start3A_73 = tpu.memref_slice %arg6[%add3A_71, %dma_start3A_72] : memref<416x128xf32, #tpu.memory_space<vmem>> -> memref<1x128xf32, #tpu.memory_space<vmem>>
      %dma_start3A_74 = tpu.memref_squeeze %dma_start3A_73 : memref<1x128xf32, #tpu.memory_space<vmem>> -> memref<128xf32, #tpu.memory_space<vmem>>
      %dma_start3A_75 = arith.constant 0 : i32
      %dma_start3A_76 = tpu.memref_slice %arg5[%add3A_71, %dma_start3A_75] : memref<416x128xi32, #tpu.memory_space<vmem>> -> memref<1x128xi32, #tpu.memory_space<vmem>>
      %dma_start3A_77 = tpu.memref_squeeze %dma_start3A_76 : memref<1x128xi32, #tpu.memory_space<vmem>> -> memref<128xi32, #tpu.memory_space<vmem>>
      %dma_start3A_78 = arith.constant 0 : i32
      %dma_start3A_79 = tpu.memref_slice %arg2[%dma_start3A_78] : memref<10400000xf32, #tpu.memory_space<hbm>> -> memref<10400000xf32, #tpu.memory_space<hbm>>
      tpu.enqueue_indirect_dma source(%dma_start3A_79 : memref<10400000xf32, #tpu.memory_space<hbm>>) target(%dma_start3A_74 : memref<128xf32, #tpu.memory_space<vmem>>) offsets(%dma_start3A_77 : memref<128xi32, #tpu.memory_space<vmem>>) semaphore(%arg7 : memref<!tpu.dma_semaphore, #tpu.memory_space<semaphore_mem>>)
      %mul3A_80 = arith.constant 8 : i32
      %mul3A_81 = arith.muli %scan3A_8, %mul3A_80 : i32
      %add3A_82 = arith.constant 6 : i32
      %add3A_83 = arith.addi %mul3A_81, %add3A_82 : i32
      %dma_start3A_84 = arith.constant 0 : i32
      %dma_start3A_85 = tpu.memref_slice %arg6[%add3A_83, %dma_start3A_84] : memref<416x128xf32, #tpu.memory_space<vmem>> -> memref<1x128xf32, #tpu.memory_space<vmem>>
      %dma_start3A_86 = tpu.memref_squeeze %dma_start3A_85 : memref<1x128xf32, #tpu.memory_space<vmem>> -> memref<128xf32, #tpu.memory_space<vmem>>
      %dma_start3A_87 = arith.constant 0 : i32
      %dma_start3A_88 = tpu.memref_slice %arg5[%add3A_83, %dma_start3A_87] : memref<416x128xi32, #tpu.memory_space<vmem>> -> memref<1x128xi32, #tpu.memory_space<vmem>>
      %dma_start3A_89 = tpu.memref_squeeze %dma_start3A_88 : memref<1x128xi32, #tpu.memory_space<vmem>> -> memref<128xi32, #tpu.memory_space<vmem>>
      %dma_start3A_90 = arith.constant 0 : i32
      %dma_start3A_91 = tpu.memref_slice %arg2[%dma_start3A_90] : memref<10400000xf32, #tpu.memory_space<hbm>> -> memref<10400000xf32, #tpu.memory_space<hbm>>
      tpu.enqueue_indirect_dma source(%dma_start3A_91 : memref<10400000xf32, #tpu.memory_space<hbm>>) target(%dma_start3A_86 : memref<128xf32, #tpu.memory_space<vmem>>) offsets(%dma_start3A_89 : memref<128xi32, #tpu.memory_space<vmem>>) semaphore(%arg7 : memref<!tpu.dma_semaphore, #tpu.memory_space<semaphore_mem>>)
      %mul3A_92 = arith.constant 8 : i32
      %mul3A_93 = arith.muli %scan3A_8, %mul3A_92 : i32
      %add3A_94 = arith.constant 7 : i32
      %add3A_95 = arith.addi %mul3A_93, %add3A_94 : i32
      %dma_start3A_96 = arith.constant 0 : i32
      %dma_start3A_97 = tpu.memref_slice %arg6[%add3A_95, %dma_start3A_96] : memref<416x128xf32, #tpu.memory_space<vmem>> -> memref<1x128xf32, #tpu.memory_space<vmem>>
      %dma_start3A_98 = tpu.memref_squeeze %dma_start3A_97 : memref<1x128xf32, #tpu.memory_space<vmem>> -> memref<128xf32, #tpu.memory_space<vmem>>
      %dma_start3A_99 = arith.constant 0 : i32
      %dma_start3A_100 = tpu.memref_slice %arg5[%add3A_95, %dma_start3A_99] : memref<416x128xi32, #tpu.memory_space<vmem>> -> memref<1x128xi32, #tpu.memory_space<vmem>>
      %dma_start3A_101 = tpu.memref_squeeze %dma_start3A_100 : memref<1x128xi32, #tpu.memory_space<vmem>> -> memref<128xi32, #tpu.memory_space<vmem>>
      %dma_start3A_102 = arith.constant 0 : i32
      %dma_start3A_103 = tpu.memref_slice %arg2[%dma_start3A_102] : memref<10400000xf32, #tpu.memory_space<hbm>> -> memref<10400000xf32, #tpu.memory_space<hbm>>
      tpu.enqueue_indirect_dma source(%dma_start3A_103 : memref<10400000xf32, #tpu.memory_space<hbm>>) target(%dma_start3A_98 : memref<128xf32, #tpu.memory_space<vmem>>) offsets(%dma_start3A_101 : memref<128xi32, #tpu.memory_space<vmem>>) semaphore(%arg7 : memref<!tpu.dma_semaphore, #tpu.memory_space<semaphore_mem>>)
      %dma_wait3A = arith.constant 0 : i32
      %dma_wait3A_104 = tpu.memref_slice %arg6[%add3A_12, %dma_wait3A] : memref<416x128xf32, #tpu.memory_space<vmem>> -> memref<1x128xf32, #tpu.memory_space<vmem>>
      %dma_wait3A_105 = tpu.memref_squeeze %dma_wait3A_104 : memref<1x128xf32, #tpu.memory_space<vmem>> -> memref<128xf32, #tpu.memory_space<vmem>>
      %dma_wait3A_106 = arith.constant 0 : i32
      %dma_wait3A_107 = tpu.memref_slice %arg5[%add3A_12, %dma_wait3A_106] : memref<416x128xi32, #tpu.memory_space<vmem>> -> memref<1x128xi32, #tpu.memory_space<vmem>>
      %dma_wait3A_108 = tpu.memref_squeeze %dma_wait3A_107 : memref<1x128xi32, #tpu.memory_space<vmem>> -> memref<128xi32, #tpu.memory_space<vmem>>
      %dma_wait3A_109 = arith.constant 0 : i32
      %dma_wait3A_110 = tpu.memref_slice %arg2[%dma_wait3A_109] : memref<10400000xf32, #tpu.memory_space<hbm>> -> memref<10400000xf32, #tpu.memory_space<hbm>>
      tpu.wait_indirect_dma semaphore(%arg7 : memref<!tpu.dma_semaphore, #tpu.memory_space<semaphore_mem>>) src(%dma_wait3A_110 : memref<10400000xf32, #tpu.memory_space<hbm>>) dst(%dma_wait3A_105 : memref<128xf32, #tpu.memory_space<vmem>>)
      %dma_wait3A_111 = arith.constant 0 : i32
      %dma_wait3A_112 = tpu.memref_slice %arg6[%add3A_23, %dma_wait3A_111] : memref<416x128xf32, #tpu.memory_space<vmem>> -> memref<1x128xf32, #tpu.memory_space<vmem>>
      %dma_wait3A_113 = tpu.memref_squeeze %dma_wait3A_112 : memref<1x128xf32, #tpu.memory_space<vmem>> -> memref<128xf32, #tpu.memory_space<vmem>>
      %dma_wait3A_114 = arith.constant 0 : i32
      %dma_wait3A_115 = tpu.memref_slice %arg5[%add3A_23, %dma_wait3A_114] : memref<416x128xi32, #tpu.memory_space<vmem>> -> memref<1x128xi32, #tpu.memory_space<vmem>>
      %dma_wait3A_116 = tpu.memref_squeeze %dma_wait3A_115 : memref<1x128xi32, #tpu.memory_space<vmem>> -> memref<128xi32, #tpu.memory_space<vmem>>
      %dma_wait3A_117 = arith.constant 0 : i32
      %dma_wait3A_118 = tpu.memref_slice %arg2[%dma_wait3A_117] : memref<10400000xf32, #tpu.memory_space<hbm>> -> memref<10400000xf32, #tpu.memory_space<hbm>>
      tpu.wait_indirect_dma semaphore(%arg7 : memref<!tpu.dma_semaphore, #tpu.memory_space<semaphore_mem>>) src(%dma_wait3A_118 : memref<10400000xf32, #tpu.memory_space<hbm>>) dst(%dma_wait3A_113 : memref<128xf32, #tpu.memory_space<vmem>>)
      %dma_wait3A_119 = arith.constant 0 : i32
      %dma_wait3A_120 = tpu.memref_slice %arg6[%add3A_35, %dma_wait3A_119] : memref<416x128xf32, #tpu.memory_space<vmem>> -> memref<1x128xf32, #tpu.memory_space<vmem>>
      %dma_wait3A_121 = tpu.memref_squeeze %dma_wait3A_120 : memref<1x128xf32, #tpu.memory_space<vmem>> -> memref<128xf32, #tpu.memory_space<vmem>>
      %dma_wait3A_122 = arith.constant 0 : i32
      %dma_wait3A_123 = tpu.memref_slice %arg5[%add3A_35, %dma_wait3A_122] : memref<416x128xi32, #tpu.memory_space<vmem>> -> memref<1x128xi32, #tpu.memory_space<vmem>>
      %dma_wait3A_124 = tpu.memref_squeeze %dma_wait3A_123 : memref<1x128xi32, #tpu.memory_space<vmem>> -> memref<128xi32, #tpu.memory_space<vmem>>
      %dma_wait3A_125 = arith.constant 0 : i32
      %dma_wait3A_126 = tpu.memref_slice %arg2[%dma_wait3A_125] : memref<10400000xf32, #tpu.memory_space<hbm>> -> memref<10400000xf32, #tpu.memory_space<hbm>>
      tpu.wait_indirect_dma semaphore(%arg7 : memref<!tpu.dma_semaphore, #tpu.memory_space<semaphore_mem>>) src(%dma_wait3A_126 : memref<10400000xf32, #tpu.memory_space<hbm>>) dst(%dma_wait3A_121 : memref<128xf32, #tpu.memory_space<vmem>>)
      %dma_wait3A_127 = arith.constant 0 : i32
      %dma_wait3A_128 = tpu.memref_slice %arg6[%add3A_47, %dma_wait3A_127] : memref<416x128xf32, #tpu.memory_space<vmem>> -> memref<1x128xf32, #tpu.memory_space<vmem>>
      %dma_wait3A_129 = tpu.memref_squeeze %dma_wait3A_128 : memref<1x128xf32, #tpu.memory_space<vmem>> -> memref<128xf32, #tpu.memory_space<vmem>>
      %dma_wait3A_130 = arith.constant 0 : i32
      %dma_wait3A_131 = tpu.memref_slice %arg5[%add3A_47, %dma_wait3A_130] : memref<416x128xi32, #tpu.memory_space<vmem>> -> memref<1x128xi32, #tpu.memory_space<vmem>>
      %dma_wait3A_132 = tpu.memref_squeeze %dma_wait3A_131 : memref<1x128xi32, #tpu.memory_space<vmem>> -> memref<128xi32, #tpu.memory_space<vmem>>
      %dma_wait3A_133 = arith.constant 0 : i32
      %dma_wait3A_134 = tpu.memref_slice %arg2[%dma_wait3A_133] : memref<10400000xf32, #tpu.memory_space<hbm>> -> memref<10400000xf32, #tpu.memory_space<hbm>>
      tpu.wait_indirect_dma semaphore(%arg7 : memref<!tpu.dma_semaphore, #tpu.memory_space<semaphore_mem>>) src(%dma_wait3A_134 : memref<10400000xf32, #tpu.memory_space<hbm>>) dst(%dma_wait3A_129 : memref<128xf32, #tpu.memory_space<vmem>>)
      %dma_wait3A_135 = arith.constant 0 : i32
      %dma_wait3A_136 = tpu.memref_slice %arg6[%add3A_59, %dma_wait3A_135] : memref<416x128xf32, #tpu.memory_space<vmem>> -> memref<1x128xf32, #tpu.memory_space<vmem>>
      %dma_wait3A_137 = tpu.memref_squeeze %dma_wait3A_136 : memref<1x128xf32, #tpu.memory_space<vmem>> -> memref<128xf32, #tpu.memory_space<vmem>>
      %dma_wait3A_138 = arith.constant 0 : i32
      %dma_wait3A_139 = tpu.memref_slice %arg5[%add3A_59, %dma_wait3A_138] : memref<416x128xi32, #tpu.memory_space<vmem>> -> memref<1x128xi32, #tpu.memory_space<vmem>>
      %dma_wait3A_140 = tpu.memref_squeeze %dma_wait3A_139 : memref<1x128xi32, #tpu.memory_space<vmem>> -> memref<128xi32, #tpu.memory_space<vmem>>
      %dma_wait3A_141 = arith.constant 0 : i32
      %dma_wait3A_142 = tpu.memref_slice %arg2[%dma_wait3A_141] : memref<10400000xf32, #tpu.memory_space<hbm>> -> memref<10400000xf32, #tpu.memory_space<hbm>>
      tpu.wait_indirect_dma semaphore(%arg7 : memref<!tpu.dma_semaphore, #tpu.memory_space<semaphore_mem>>) src(%dma_wait3A_142 : memref<10400000xf32, #tpu.memory_space<hbm>>) dst(%dma_wait3A_137 : memref<128xf32, #tpu.memory_space<vmem>>)
      %dma_wait3A_143 = arith.constant 0 : i32
      %dma_wait3A_144 = tpu.memref_slice %arg6[%add3A_71, %dma_wait3A_143] : memref<416x128xf32, #tpu.memory_space<vmem>> -> memref<1x128xf32, #tpu.memory_space<vmem>>
      %dma_wait3A_145 = tpu.memref_squeeze %dma_wait3A_144 : memref<1x128xf32, #tpu.memory_space<vmem>> -> memref<128xf32, #tpu.memory_space<vmem>>
      %dma_wait3A_146 = arith.constant 0 : i32
      %dma_wait3A_147 = tpu.memref_slice %arg5[%add3A_71, %dma_wait3A_146] : memref<416x128xi32, #tpu.memory_space<vmem>> -> memref<1x128xi32, #tpu.memory_space<vmem>>
      %dma_wait3A_148 = tpu.memref_squeeze %dma_wait3A_147 : memref<1x128xi32, #tpu.memory_space<vmem>> -> memref<128xi32, #tpu.memory_space<vmem>>
      %dma_wait3A_149 = arith.constant 0 : i32
      %dma_wait3A_150 = tpu.memref_slice %arg2[%dma_wait3A_149] : memref<10400000xf32, #tpu.memory_space<hbm>> -> memref<10400000xf32, #tpu.memory_space<hbm>>
      tpu.wait_indirect_dma semaphore(%arg7 : memref<!tpu.dma_semaphore, #tpu.memory_space<semaphore_mem>>) src(%dma_wait3A_150 : memref<10400000xf32, #tpu.memory_space<hbm>>) dst(%dma_wait3A_145 : memref<128xf32, #tpu.memory_space<vmem>>)
      %dma_wait3A_151 = arith.constant 0 : i32
      %dma_wait3A_152 = tpu.memref_slice %arg6[%add3A_83, %dma_wait3A_151] : memref<416x128xf32, #tpu.memory_space<vmem>> -> memref<1x128xf32, #tpu.memory_space<vmem>>
      %dma_wait3A_153 = tpu.memref_squeeze %dma_wait3A_152 : memref<1x128xf32, #tpu.memory_space<vmem>> -> memref<128xf32, #tpu.memory_space<vmem>>
      %dma_wait3A_154 = arith.constant 0 : i32
      %dma_wait3A_155 = tpu.memref_slice %arg5[%add3A_83, %dma_wait3A_154] : memref<416x128xi32, #tpu.memory_space<vmem>> -> memref<1x128xi32, #tpu.memory_space<vmem>>
      %dma_wait3A_156 = tpu.memref_squeeze %dma_wait3A_155 : memref<1x128xi32, #tpu.memory_space<vmem>> -> memref<128xi32, #tpu.memory_space<vmem>>
      %dma_wait3A_157 = arith.constant 0 : i32
      %dma_wait3A_158 = tpu.memref_slice %arg2[%dma_wait3A_157] : memref<10400000xf32, #tpu.memory_space<hbm>> -> memref<10400000xf32, #tpu.memory_space<hbm>>
      tpu.wait_indirect_dma semaphore(%arg7 : memref<!tpu.dma_semaphore, #tpu.memory_space<semaphore_mem>>) src(%dma_wait3A_158 : memref<10400000xf32, #tpu.memory_space<hbm>>) dst(%dma_wait3A_153 : memref<128xf32, #tpu.memory_space<vmem>>)
      %dma_wait3A_159 = arith.constant 0 : i32
      %dma_wait3A_160 = tpu.memref_slice %arg6[%add3A_95, %dma_wait3A_159] : memref<416x128xf32, #tpu.memory_space<vmem>> -> memref<1x128xf32, #tpu.memory_space<vmem>>
      %dma_wait3A_161 = tpu.memref_squeeze %dma_wait3A_160 : memref<1x128xf32, #tpu.memory_space<vmem>> -> memref<128xf32, #tpu.memory_space<vmem>>
      %dma_wait3A_162 = arith.constant 0 : i32
      %dma_wait3A_163 = tpu.memref_slice %arg5[%add3A_95, %dma_wait3A_162] : memref<416x128xi32, #tpu.memory_space<vmem>> -> memref<1x128xi32, #tpu.memory_space<vmem>>
      %dma_wait3A_164 = tpu.memref_squeeze %dma_wait3A_163 : memref<1x128xi32, #tpu.memory_space<vmem>> -> memref<128xi32, #tpu.memory_space<vmem>>
      %dma_wait3A_165 = arith.constant 0 : i32
      %dma_wait3A_166 = tpu.memref_slice %arg2[%dma_wait3A_165] : memref<10400000xf32, #tpu.memory_space<hbm>> -> memref<10400000xf32, #tpu.memory_space<hbm>>
      tpu.wait_indirect_dma semaphore(%arg7 : memref<!tpu.dma_semaphore, #tpu.memory_space<semaphore_mem>>) src(%dma_wait3A_166 : memref<10400000xf32, #tpu.memory_space<hbm>>) dst(%dma_wait3A_161 : memref<128xf32, #tpu.memory_space<vmem>>)
    }
    %scan3A_7 = arith.constant 52 : i32
    "tpu.region"() ({
      %run_scoped3A = tpu.sem_alloc : memref<!tpu.dma_semaphore, #tpu.memory_space<semaphore_mem>>
      %dma_start3A = arith.constant 0 : i32
      %dma_start3A_8 = arith.constant 0 : i32
      %dma_start3A_9 = tpu.memref_slice %arg4[%add3A, %dma_start3A, %dma_start3A_8] : memref<32x416x128xf32, #tpu.memory_space<hbm>> -> memref<1x416x128xf32, #tpu.memory_space<hbm>>
      %dma_start3A_10 = tpu.memref_squeeze %dma_start3A_9 : memref<1x416x128xf32, #tpu.memory_space<hbm>> -> memref<416x128xf32, #tpu.memory_space<hbm>>
      %dma_start3A_11 = arith.constant 0 : i32
      %dma_start3A_12 = arith.constant 0 : i32
      %dma_start3A_13 = tpu.memref_slice %arg4[%add3A, %dma_start3A_11, %dma_start3A_12] : memref<32x416x128xf32, #tpu.memory_space<hbm>> -> memref<1x416x128xf32, #tpu.memory_space<hbm>>
      %dma_start3A_14 = tpu.memref_squeeze %dma_start3A_13 : memref<1x416x128xf32, #tpu.memory_space<hbm>> -> memref<416x128xf32, #tpu.memory_space<hbm>>
      tpu.enqueue_dma source(%arg6 : memref<416x128xf32, #tpu.memory_space<vmem>>) target(%dma_start3A_14 : memref<416x128xf32, #tpu.memory_space<hbm>>) target_semaphore(%run_scoped3A : memref<!tpu.dma_semaphore, #tpu.memory_space<semaphore_mem>>)
      %dma_wait3A = arith.constant 0 : i32
      %dma_wait3A_15 = arith.constant 0 : i32
      %dma_wait3A_16 = tpu.memref_slice %arg4[%add3A, %dma_wait3A, %dma_wait3A_15] : memref<32x416x128xf32, #tpu.memory_space<hbm>> -> memref<1x416x128xf32, #tpu.memory_space<hbm>>
      %dma_wait3A_17 = tpu.memref_squeeze %dma_wait3A_16 : memref<1x416x128xf32, #tpu.memory_space<hbm>> -> memref<416x128xf32, #tpu.memory_space<hbm>>
      %dma_wait3A_18 = arith.constant 0 : i32
      %dma_wait3A_19 = arith.constant 0 : i32
      %dma_wait3A_20 = tpu.memref_slice %arg4[%add3A, %dma_wait3A_18, %dma_wait3A_19] : memref<32x416x128xf32, #tpu.memory_space<hbm>> -> memref<1x416x128xf32, #tpu.memory_space<hbm>>
      %dma_wait3A_21 = tpu.memref_squeeze %dma_wait3A_20 : memref<1x416x128xf32, #tpu.memory_space<hbm>> -> memref<416x128xf32, #tpu.memory_space<hbm>>
      tpu.wait_dma2 semaphore(%run_scoped3A : memref<!tpu.dma_semaphore, #tpu.memory_space<semaphore_mem>>) src(%arg6 : memref<416x128xf32, #tpu.memory_space<vmem>>) dst(%dma_wait3A_21 : memref<416x128xf32, #tpu.memory_space<hbm>>)
      tpu.yield
    }) : () -> ()
    return
  }
}

module attributes {stable_mosaic.version = 14 : i64} {
  func.func @_stats_body(%arg0: i32, %arg1: memref<2048x104xf32, #tpu.memory_space<vmem>>, %arg2: memref<2048x128xf32, #tpu.memory_space<vmem>>, %arg3: memref<8x128xf32, #tpu.memory_space<vmem>>, %arg4: memref<104x512xf32, #tpu.memory_space<vmem>>, %arg5: memref<128x128xf32, #tpu.memory_space<vmem>>, %arg6: memref<128x128xf32, #tpu.memory_space<vmem>>) attributes {dimension_semantics = [#tpu.dimension_semantics<arbitrary>], iteration_bounds = array<i64: 8>, scalar_prefetch = 0 : i64, scratch_operands = 0 : i64, tpu.core_type = #tpu.core_type<tc>, window_params = [{transform_indices = @transform_0, window_bounds = array<i64: 2048, 104>}, {transform_indices = @transform_1, window_bounds = array<i64: 2048, 128>}, {pipeline_mode = #tpu.pipeline_mode<synchronous>, transform_indices = @transform_2, window_bounds = array<i64: 8, 128>}, {pipeline_mode = #tpu.pipeline_mode<synchronous>, transform_indices = @transform_3, window_bounds = array<i64: 104, 512>}, {pipeline_mode = #tpu.pipeline_mode<synchronous>, transform_indices = @transform_4, window_bounds = array<i64: 128, 128>}, {pipeline_mode = #tpu.pipeline_mode<synchronous>, transform_indices = @transform_5, window_bounds = array<i64: 128, 128>}]} {
    %get3A = arith.constant 0 : index
    %get3A_0 = arith.constant 0 : index
    %get3A_1 = vector.load %arg1[%get3A, %get3A_0] : memref<2048x104xf32, #tpu.memory_space<vmem>>, vector<2048x104xf32>
    %get3A_2 = arith.constant 0 : index
    %get3A_3 = arith.constant 0 : index
    %get3A_4 = vector.load %arg2[%get3A_2, %get3A_3] : memref<2048x128xf32, #tpu.memory_space<vmem>>, vector<2048x128xf32>
    %get3A_5 = arith.constant 0 : index
    %get3A_6 = arith.constant 0 : index
    %get3A_7 = vector.load %arg3[%get3A_5, %get3A_6] : memref<8x128xf32, #tpu.memory_space<vmem>>, vector<1x128xf32>
    %mul3A = vector.broadcast %get3A_7 : vector<1x128xf32> to vector<2048x128xf32>
    %mul3A_8 = arith.mulf %get3A_4, %mul3A : vector<2048x128xf32>
    %get3A_9 = arith.constant 0 : index
    %get3A_10 = arith.constant 0 : index
    %get3A_11 = vector.load %arg4[%get3A_9, %get3A_10] : memref<104x512xf32, #tpu.memory_space<vmem>>, vector<104x512xf32>
    %dot_general3A = arith.constant dense<0.000000e+00> : vector<2048x512xf32>
    %dot_general3A_12 = tpu.matmul %get3A_1, %get3A_11, %dot_general3A {dimension_numbers = #tpu.dot_dimension_numbers<[1], [0], [0], [1], [0, 0, 1, 1], [], []>, transpose_lhs_hint = false} : vector<2048x104xf32>, vector<104x512xf32>, vector<2048x512xf32> -> vector<2048x512xf32>
    %eq3A = arith.constant 0 : i32
    %eq3A_13 = arith.cmpi eq, %arg0, %eq3A : i32
    %convert_element_type3A = arith.extui %eq3A_13 : i1 to i32
    %cond3A = arith.constant 0 : i32
    %cond3A_14 = arith.cmpi ne, %convert_element_type3A, %cond3A : i32
    scf.if %cond3A_14 {
      %broadcast_in_dim3A_119 = arith.constant 0.000000e+00 : f32
      %broadcast_in_dim3A_120 = vector.broadcast %broadcast_in_dim3A_119 : f32 to vector<128x128xf32>
      %swap3A_121 = arith.constant 0 : index
      %swap3A_122 = arith.constant 0 : index
      %swap3A_123 = vector.load %arg5[%swap3A_121, %swap3A_122] : memref<128x128xf32, #tpu.memory_space<vmem>>, vector<128x128xf32>
      tpu.vector_store %arg5[%swap3A_121, %swap3A_122], %broadcast_in_dim3A_120 {strides = array<i32>} : memref<128x128xf32, #tpu.memory_space<vmem>>, vector<128x128xf32>,
      %broadcast_in_dim3A_124 = arith.constant 0.000000e+00 : f32
      %broadcast_in_dim3A_125 = vector.broadcast %broadcast_in_dim3A_124 : f32 to vector<128x128xf32>
      %swap3A_126 = arith.constant 0 : index
      %swap3A_127 = arith.constant 0 : index
      %swap3A_128 = vector.load %arg6[%swap3A_126, %swap3A_127] : memref<128x128xf32, #tpu.memory_space<vmem>>, vector<128x128xf32>
      tpu.vector_store %arg6[%swap3A_126, %swap3A_127], %broadcast_in_dim3A_125 {strides = array<i32>} : memref<128x128xf32, #tpu.memory_space<vmem>>, vector<128x128xf32>,
    } else {
    }
    %slice3A = vector.extract_strided_slice %dot_general3A_12 {offsets = [0, 0], sizes = [2048, 128], strides = [1, 1]} : vector<2048x512xf32> to vector<2048x128xf32>
    %add3A = arith.addf %slice3A, %mul3A_8 : vector<2048x128xf32>
    %slice3A_15 = vector.extract_strided_slice %dot_general3A_12 {offsets = [0, 128], sizes = [2048, 128], strides = [1, 1]} : vector<2048x512xf32> to vector<2048x128xf32>
    %add3A_16 = arith.addf %slice3A_15, %mul3A_8 : vector<2048x128xf32>
    %slice3A_17 = vector.extract_strided_slice %dot_general3A_12 {offsets = [0, 256], sizes = [2048, 128], strides = [1, 1]} : vector<2048x512xf32> to vector<2048x128xf32>
    %add3A_18 = arith.addf %slice3A_17, %mul3A_8 : vector<2048x128xf32>
    %slice3A_19 = vector.extract_strided_slice %dot_general3A_12 {offsets = [0, 384], sizes = [2048, 128], strides = [1, 1]} : vector<2048x512xf32> to vector<2048x128xf32>
    %add3A_20 = arith.addf %slice3A_19, %mul3A_8 : vector<2048x128xf32>
    %broadcast_in_dim3A = arith.constant 0.000000e+00 : f32
    %broadcast_in_dim3A_21 = vector.broadcast %broadcast_in_dim3A : f32 to vector<128x128xf32>
    %broadcast_in_dim3A_22 = arith.constant 0.000000e+00 : f32
    %broadcast_in_dim3A_23 = vector.broadcast %broadcast_in_dim3A_22 : f32 to vector<128x128xf32>
    %dot_general3A_24 = arith.constant dense<0.000000e+00> : vector<128x128xf32>
    %dot_general3A_25 = tpu.matmul %add3A, %add3A, %dot_general3A_24 {dimension_numbers = #tpu.dot_dimension_numbers<[0], [0], [1], [1], [0, 1, 1, 1], [], []>, transpose_lhs_hint = false} : vector<2048x128xf32>, vector<2048x128xf32>, vector<128x128xf32> -> vector<128x128xf32>
    %add3A_26 = arith.addf %broadcast_in_dim3A_21, %dot_general3A_25 : vector<128x128xf32>
    %mul3A_27 = arith.mulf %add3A, %add3A : vector<2048x128xf32>
    %dot_general3A_28 = arith.constant dense<0.000000e+00> : vector<128x128xf32>
    %dot_general3A_29 = tpu.matmul %mul3A_27, %mul3A_27, %dot_general3A_28 {dimension_numbers = #tpu.dot_dimension_numbers<[0], [0], [1], [1], [0, 1, 1, 1], [], []>, transpose_lhs_hint = false} : vector<2048x128xf32>, vector<2048x128xf32>, vector<128x128xf32> -> vector<128x128xf32>
    %mul3A_30 = arith.constant 1.000000e+00 : f32
    %mul3A_31 = vector.broadcast %mul3A_30 : f32 to vector<128x128xf32>
    %mul3A_32 = arith.mulf %mul3A_31, %dot_general3A_29 : vector<128x128xf32>
    %add3A_33 = arith.addf %broadcast_in_dim3A_23, %mul3A_32 : vector<128x128xf32>
    %mul3A_34 = arith.mulf %add3A, %add3A_16 : vector<2048x128xf32>
    %dot_general3A_35 = arith.constant dense<0.000000e+00> : vector<128x128xf32>
    %dot_general3A_36 = tpu.matmul %mul3A_34, %mul3A_34, %dot_general3A_35 {dimension_numbers = #tpu.dot_dimension_numbers<[0], [0], [1], [1], [0, 1, 1, 1], [], []>, transpose_lhs_hint = false} : vector<2048x128xf32>, vector<2048x128xf32>, vector<128x128xf32> -> vector<128x128xf32>
    %mul3A_37 = arith.constant 2.000000e+00 : f32
    %mul3A_38 = vector.broadcast %mul3A_37 : f32 to vector<128x128xf32>
    %mul3A_39 = arith.mulf %mul3A_38, %dot_general3A_36 : vector<128x128xf32>
    %add3A_40 = arith.addf %add3A_33, %mul3A_39 : vector<128x128xf32>
    %mul3A_41 = arith.mulf %add3A, %add3A_18 : vector<2048x128xf32>
    %dot_general3A_42 = arith.constant dense<0.000000e+00> : vector<128x128xf32>
    %dot_general3A_43 = tpu.matmul %mul3A_41, %mul3A_41, %dot_general3A_42 {dimension_numbers = #tpu.dot_dimension_numbers<[0], [0], [1], [1], [0, 1, 1, 1], [], []>, transpose_lhs_hint = false} : vector<2048x128xf32>, vector<2048x128xf32>, vector<128x128xf32> -> vector<128x128xf32>
    %mul3A_44 = arith.constant 2.000000e+00 : f32
    %mul3A_45 = vector.broadcast %mul3A_44 : f32 to vector<128x128xf32>
    %mul3A_46 = arith.mulf %mul3A_45, %dot_general3A_43 : vector<128x128xf32>
    %add3A_47 = arith.addf %add3A_40, %mul3A_46 : vector<128x128xf32>
    %mul3A_48 = arith.mulf %add3A, %add3A_20 : vector<2048x128xf32>
    %dot_general3A_49 = arith.constant dense<0.000000e+00> : vector<128x128xf32>
    %dot_general3A_50 = tpu.matmul %mul3A_48, %mul3A_48, %dot_general3A_49 {dimension_numbers = #tpu.dot_dimension_numbers<[0], [0], [1], [1], [0, 1, 1, 1], [], []>, transpose_lhs_hint = false} : vector<2048x128xf32>, vector<2048x128xf32>, vector<128x128xf32> -> vector<128x128xf32>
    %mul3A_51 = arith.constant 2.000000e+00 : f32
    %mul3A_52 = vector.broadcast %mul3A_51 : f32 to vector<128x128xf32>
    %mul3A_53 = arith.mulf %mul3A_52, %dot_general3A_50 : vector<128x128xf32>
    %add3A_54 = arith.addf %add3A_47, %mul3A_53 : vector<128x128xf32>
    %dot_general3A_55 = arith.constant dense<0.000000e+00> : vector<128x128xf32>
    %dot_general3A_56 = tpu.matmul %add3A_16, %add3A_16, %dot_general3A_55 {dimension_numbers = #tpu.dot_dimension_numbers<[0], [0], [1], [1], [0, 1, 1, 1], [], []>, transpose_lhs_hint = false} : vector<2048x128xf32>, vector<2048x128xf32>, vector<128x128xf32> -> vector<128x128xf32>
    %add3A_57 = arith.addf %add3A_26, %dot_general3A_56 : vector<128x128xf32>
    %mul3A_58 = arith.mulf %add3A_16, %add3A_16 : vector<2048x128xf32>
    %dot_general3A_59 = arith.constant dense<0.000000e+00> : vector<128x128xf32>
    %dot_general3A_60 = tpu.matmul %mul3A_58, %mul3A_58, %dot_general3A_59 {dimension_numbers = #tpu.dot_dimension_numbers<[0], [0], [1], [1], [0, 1, 1, 1], [], []>, transpose_lhs_hint = false} : vector<2048x128xf32>, vector<2048x128xf32>, vector<128x128xf32> -> vector<128x128xf32>
    %mul3A_61 = arith.constant 1.000000e+00 : f32
    %mul3A_62 = vector.broadcast %mul3A_61 : f32 to vector<128x128xf32>
    %mul3A_63 = arith.mulf %mul3A_62, %dot_general3A_60 : vector<128x128xf32>
    %add3A_64 = arith.addf %add3A_54, %mul3A_63 : vector<128x128xf32>
    %mul3A_65 = arith.mulf %add3A_16, %add3A_18 : vector<2048x128xf32>
    %dot_general3A_66 = arith.constant dense<0.000000e+00> : vector<128x128xf32>
    %dot_general3A_67 = tpu.matmul %mul3A_65, %mul3A_65, %dot_general3A_66 {dimension_numbers = #tpu.dot_dimension_numbers<[0], [0], [1], [1], [0, 1, 1, 1], [], []>, transpose_lhs_hint = false} : vector<2048x128xf32>, vector<2048x128xf32>, vector<128x128xf32> -> vector<128x128xf32>
    %mul3A_68 = arith.constant 2.000000e+00 : f32
    %mul3A_69 = vector.broadcast %mul3A_68 : f32 to vector<128x128xf32>
    %mul3A_70 = arith.mulf %mul3A_69, %dot_general3A_67 : vector<128x128xf32>
    %add3A_71 = arith.addf %add3A_64, %mul3A_70 : vector<128x128xf32>
    %mul3A_72 = arith.mulf %add3A_16, %add3A_20 : vector<2048x128xf32>
    %dot_general3A_73 = arith.constant dense<0.000000e+00> : vector<128x128xf32>
    %dot_general3A_74 = tpu.matmul %mul3A_72, %mul3A_72, %dot_general3A_73 {dimension_numbers = #tpu.dot_dimension_numbers<[0], [0], [1], [1], [0, 1, 1, 1], [], []>, transpose_lhs_hint = false} : vector<2048x128xf32>, vector<2048x128xf32>, vector<128x128xf32> -> vector<128x128xf32>
    %mul3A_75 = arith.constant 2.000000e+00 : f32
    %mul3A_76 = vector.broadcast %mul3A_75 : f32 to vector<128x128xf32>
    %mul3A_77 = arith.mulf %mul3A_76, %dot_general3A_74 : vector<128x128xf32>
    %add3A_78 = arith.addf %add3A_71, %mul3A_77 : vector<128x128xf32>
    %dot_general3A_79 = arith.constant dense<0.000000e+00> : vector<128x128xf32>
    %dot_general3A_80 = tpu.matmul %add3A_18, %add3A_18, %dot_general3A_79 {dimension_numbers = #tpu.dot_dimension_numbers<[0], [0], [1], [1], [0, 1, 1, 1], [], []>, transpose_lhs_hint = false} : vector<2048x128xf32>, vector<2048x128xf32>, vector<128x128xf32> -> vector<128x128xf32>
    %add3A_81 = arith.addf %add3A_57, %dot_general3A_80 : vector<128x128xf32>
    %mul3A_82 = arith.mulf %add3A_18, %add3A_18 : vector<2048x128xf32>
    %dot_general3A_83 = arith.constant dense<0.000000e+00> : vector<128x128xf32>
    %dot_general3A_84 = tpu.matmul %mul3A_82, %mul3A_82, %dot_general3A_83 {dimension_numbers = #tpu.dot_dimension_numbers<[0], [0], [1], [1], [0, 1, 1, 1], [], []>, transpose_lhs_hint = false} : vector<2048x128xf32>, vector<2048x128xf32>, vector<128x128xf32> -> vector<128x128xf32>
    %mul3A_85 = arith.constant 1.000000e+00 : f32
    %mul3A_86 = vector.broadcast %mul3A_85 : f32 to vector<128x128xf32>
    %mul3A_87 = arith.mulf %mul3A_86, %dot_general3A_84 : vector<128x128xf32>
    %add3A_88 = arith.addf %add3A_78, %mul3A_87 : vector<128x128xf32>
    %mul3A_89 = arith.mulf %add3A_18, %add3A_20 : vector<2048x128xf32>
    %dot_general3A_90 = arith.constant dense<0.000000e+00> : vector<128x128xf32>
    %dot_general3A_91 = tpu.matmul %mul3A_89, %mul3A_89, %dot_general3A_90 {dimension_numbers = #tpu.dot_dimension_numbers<[0], [0], [1], [1], [0, 1, 1, 1], [], []>, transpose_lhs_hint = false} : vector<2048x128xf32>, vector<2048x128xf32>, vector<128x128xf32> -> vector<128x128xf32>
    %mul3A_92 = arith.constant 2.000000e+00 : f32
    %mul3A_93 = vector.broadcast %mul3A_92 : f32 to vector<128x128xf32>
    %mul3A_94 = arith.mulf %mul3A_93, %dot_general3A_91 : vector<128x128xf32>
    %add3A_95 = arith.addf %add3A_88, %mul3A_94 : vector<128x128xf32>
    %dot_general3A_96 = arith.constant dense<0.000000e+00> : vector<128x128xf32>
    %dot_general3A_97 = tpu.matmul %add3A_20, %add3A_20, %dot_general3A_96 {dimension_numbers = #tpu.dot_dimension_numbers<[0], [0], [1], [1], [0, 1, 1, 1], [], []>, transpose_lhs_hint = false} : vector<2048x128xf32>, vector<2048x128xf32>, vector<128x128xf32> -> vector<128x128xf32>
    %add3A_98 = arith.addf %add3A_81, %dot_general3A_97 : vector<128x128xf32>
    %mul3A_99 = arith.mulf %add3A_20, %add3A_20 : vector<2048x128xf32>
    %dot_general3A_100 = arith.constant dense<0.000000e+00> : vector<128x128xf32>
    %dot_general3A_101 = tpu.matmul %mul3A_99, %mul3A_99, %dot_general3A_100 {dimension_numbers = #tpu.dot_dimension_numbers<[0], [0], [1], [1], [0, 1, 1, 1], [], []>, transpose_lhs_hint = false} : vector<2048x128xf32>, vector<2048x128xf32>, vector<128x128xf32> -> vector<128x128xf32>
    %mul3A_102 = arith.constant 1.000000e+00 : f32
    %mul3A_103 = vector.broadcast %mul3A_102 : f32 to vector<128x128xf32>
    %mul3A_104 = arith.mulf %mul3A_103, %dot_general3A_101 : vector<128x128xf32>
    %add3A_105 = arith.addf %add3A_95, %mul3A_104 : vector<128x128xf32>
    %get3A_106 = arith.constant 0 : index
    %get3A_107 = arith.constant 0 : index
    %get3A_108 = vector.load %arg5[%get3A_106, %get3A_107] : memref<128x128xf32, #tpu.memory_space<vmem>>, vector<128x128xf32>
    %add3A_109 = arith.addf %get3A_108, %add3A_98 : vector<128x128xf32>
    %swap3A = arith.constant 0 : index
    %swap3A_110 = arith.constant 0 : index
    %swap3A_111 = vector.load %arg5[%swap3A, %swap3A_110] : memref<128x128xf32, #tpu.memory_space<vmem>>, vector<128x128xf32>
    tpu.vector_store %arg5[%swap3A, %swap3A_110], %add3A_109 {strides = array<i32>} : memref<128x128xf32, #tpu.memory_space<vmem>>, vector<128x128xf32>,
    %get3A_112 = arith.constant 0 : index
    %get3A_113 = arith.constant 0 : index
    %get3A_114 = vector.load %arg6[%get3A_112, %get3A_113] : memref<128x128xf32, #tpu.memory_space<vmem>>, vector<128x128xf32>
    %add3A_115 = arith.addf %get3A_114, %add3A_105 : vector<128x128xf32>
    %swap3A_116 = arith.constant 0 : index
    %swap3A_117 = arith.constant 0 : index
    %swap3A_118 = vector.load %arg6[%swap3A_116, %swap3A_117] : memref<128x128xf32, #tpu.memory_space<vmem>>, vector<128x128xf32>
    tpu.vector_store %arg6[%swap3A_116, %swap3A_117], %add3A_115 {strides = array<i32>} : memref<128x128xf32, #tpu.memory_space<vmem>>, vector<128x128xf32>,
    return
  }
  func.func @transform_0(%arg0: i32) -> (i32, i32) {
    %c0_i32 = arith.constant 0 : i32
    %c0_i32_0 = arith.constant 0 : i32
    return %arg0, %c0_i32 : i32, i32
  }
  func.func @transform_1(%arg0: i32) -> (i32, i32) {
    %c0_i32 = arith.constant 0 : i32
    %c0_i32_0 = arith.constant 0 : i32
    return %arg0, %c0_i32 : i32, i32
  }
  func.func @transform_2(%arg0: i32) -> (i32, i32) {
    %c0_i32 = arith.constant 0 : i32
    %c0_i32_0 = arith.constant 0 : i32
    %c0_i32_1 = arith.constant 0 : i32
    return %c0_i32, %c0_i32_0 : i32, i32
  }
  func.func @transform_3(%arg0: i32) -> (i32, i32) {
    %c0_i32 = arith.constant 0 : i32
    %c0_i32_0 = arith.constant 0 : i32
    %c0_i32_1 = arith.constant 0 : i32
    return %c0_i32, %c0_i32_0 : i32, i32
  }
  func.func @transform_4(%arg0: i32) -> (i32, i32) {
    %c0_i32 = arith.constant 0 : i32
    %c0_i32_0 = arith.constant 0 : i32
    %c0_i32_1 = arith.constant 0 : i32
    return %c0_i32, %c0_i32_0 : i32, i32
  }
  func.func @transform_5(%arg0: i32) -> (i32, i32) {
    %c0_i32 = arith.constant 0 : i32
    %c0_i32_0 = arith.constant 0 : i32
    %c0_i32_1 = arith.constant 0 : i32
    return %c0_i32, %c0_i32_0 : i32, i32
  }
}

module attributes {stable_mosaic.version = 14 : i64} {
  func.func @_pair_body(%arg0: memref<128x128xf32, #tpu.memory_space<vmem>>, %arg1: memref<128x128xf32, #tpu.memory_space<vmem>>, %arg2: memref<768x1xf32, #tpu.memory_space<vmem>>, %arg3: memref<768x128xf32, #tpu.memory_space<vmem>>, %arg4: memref<768x128xf32, #tpu.memory_space<vmem>>, %arg5: memref<128x128xf32, #tpu.memory_space<vmem>>, %arg6: memref<8x128xf32, #tpu.memory_space<vmem>>) attributes {dimension_semantics = [], scalar_prefetch = 0 : i64, scratch_operands = 0 : i64, tpu.core_type = #tpu.core_type<tc>} {
    %get3A = arith.constant 0 : index
    %get3A_0 = arith.constant 0 : index
    %get3A_1 = vector.load %arg0[%get3A, %get3A_0] : memref<128x128xf32, #tpu.memory_space<vmem>>, vector<128x128xf32>
    %mul3A = arith.constant 6.10351563E-5 : f32
    %mul3A_2 = vector.broadcast %mul3A : f32 to vector<128x128xf32>
    %mul3A_3 = arith.mulf %get3A_1, %mul3A_2 : vector<128x128xf32>
    %get3A_4 = arith.constant 0 : index
    %get3A_5 = arith.constant 0 : index
    %get3A_6 = vector.load %arg1[%get3A_4, %get3A_5] : memref<128x128xf32, #tpu.memory_space<vmem>>, vector<128x128xf32>
    %mul3A_7 = arith.constant 6.10351563E-5 : f32
    %mul3A_8 = vector.broadcast %mul3A_7 : f32 to vector<128x128xf32>
    %mul3A_9 = arith.mulf %get3A_6, %mul3A_8 : vector<128x128xf32>
    %get3A_10 = arith.constant 0 : index
    %get3A_11 = arith.constant 0 : index
    %get3A_12 = vector.load %arg3[%get3A_10, %get3A_11] : memref<768x128xf32, #tpu.memory_space<vmem>>, vector<768x128xf32>
    %get3A_13 = arith.constant 0 : index
    %get3A_14 = arith.constant 0 : index
    %get3A_15 = vector.load %arg4[%get3A_13, %get3A_14] : memref<768x128xf32, #tpu.memory_space<vmem>>, vector<768x128xf32>
    %dot_general3A = arith.constant dense<0.000000e+00> : vector<768x128xf32>
    %dot_general3A_16 = tpu.matmul %get3A_12, %mul3A_3, %dot_general3A {dimension_numbers = #tpu.dot_dimension_numbers<[1], [0], [0], [1], [0, 0, 1, 1], [], []>, transpose_lhs_hint = false} : vector<768x128xf32>, vector<128x128xf32>, vector<768x128xf32> -> vector<768x128xf32>
    %mul3A_17 = arith.mulf %dot_general3A_16, %get3A_15 : vector<768x128xf32>
    %reduce_sum3A = arith.constant dense<0.000000e+00> : vector<768xf32>
    %reduce_sum3A_18 = vector.multi_reduction <add>, %mul3A_17, %reduce_sum3A [1] : vector<768x128xf32> to vector<768xf32>
    %broadcast_in_dim3A = vector.shape_cast %reduce_sum3A_18 : vector<768xf32> to vector<768x1xf32>
    %dot_general3A_19 = arith.constant dense<0.000000e+00> : vector<768x128xf32>
    %dot_general3A_20 = tpu.matmul %get3A_12, %mul3A_9, %dot_general3A_19 {dimension_numbers = #tpu.dot_dimension_numbers<[1], [0], [0], [1], [0, 0, 1, 1], [], []>, transpose_lhs_hint = false} : vector<768x128xf32>, vector<128x128xf32>, vector<768x128xf32> -> vector<768x128xf32>
    %mul3A_21 = arith.mulf %dot_general3A_20, %get3A_15 : vector<768x128xf32>
    %reduce_sum3A_22 = arith.constant dense<0.000000e+00> : vector<768xf32>
    %reduce_sum3A_23 = vector.multi_reduction <add>, %mul3A_21, %reduce_sum3A_22 [1] : vector<768x128xf32> to vector<768xf32>
    %broadcast_in_dim3A_24 = vector.shape_cast %reduce_sum3A_23 : vector<768xf32> to vector<768x1xf32>
    %mul3A_25 = arith.mulf %broadcast_in_dim3A, %broadcast_in_dim3A : vector<768x1xf32>
    %sub3A = arith.subf %broadcast_in_dim3A_24, %mul3A_25 : vector<768x1xf32>
    %get3A_26 = arith.constant 0 : index
    %get3A_27 = arith.constant 0 : index
    %get3A_28 = vector.load %arg2[%get3A_26, %get3A_27] : memref<768x1xf32, #tpu.memory_space<vmem>>, vector<768x1xf32>
    %tanh3A = math.tanh %get3A_28 : vector<768x1xf32>
    %add3A = arith.constant 1.000000e-03 : f32
    %add3A_29 = vector.broadcast %add3A : f32 to vector<768x1xf32>
    %add3A_30 = arith.addf %sub3A, %add3A_29 : vector<768x1xf32>
    %rsqrt3A = math.rsqrt %add3A_30 : vector<768x1xf32>
    %mul3A_31 = arith.mulf %tanh3A, %rsqrt3A : vector<768x1xf32>
    %mul3A_32 = vector.broadcast %mul3A_31 : vector<768x1xf32> to vector<768x128xf32>
    %mul3A_33 = arith.mulf %get3A_12, %mul3A_32 : vector<768x128xf32>
    %dot_general3A_34 = arith.constant dense<0.000000e+00> : vector<128x128xf32>
    %dot_general3A_35 = tpu.matmul %mul3A_33, %get3A_15, %dot_general3A_34 {dimension_numbers = #tpu.dot_dimension_numbers<[0], [0], [1], [1], [0, 1, 1, 1], [], []>, transpose_lhs_hint = false} : vector<768x128xf32>, vector<768x128xf32>, vector<128x128xf32> -> vector<128x128xf32>
    %mul3A_36 = vector.broadcast %mul3A_31 : vector<768x1xf32> to vector<768x128xf32>
    %mul3A_37 = arith.mulf %get3A_15, %mul3A_36 : vector<768x128xf32>
    %dot_general3A_38 = arith.constant dense<0.000000e+00> : vector<128x128xf32>
    %dot_general3A_39 = tpu.matmul %mul3A_37, %get3A_12, %dot_general3A_38 {dimension_numbers = #tpu.dot_dimension_numbers<[0], [0], [1], [1], [0, 1, 1, 1], [], []>, transpose_lhs_hint = false} : vector<768x128xf32>, vector<768x128xf32>, vector<128x128xf32> -> vector<128x128xf32>
    %add3A_40 = arith.addf %dot_general3A_35, %dot_general3A_39 : vector<128x128xf32>
    %swap3A = arith.constant 0 : index
    %swap3A_41 = arith.constant 0 : index
    %swap3A_42 = vector.load %arg5[%swap3A, %swap3A_41] : memref<128x128xf32, #tpu.memory_space<vmem>>, vector<128x128xf32>
    tpu.vector_store %arg5[%swap3A, %swap3A_41], %add3A_40 {strides = array<i32>} : memref<128x128xf32, #tpu.memory_space<vmem>>, vector<128x128xf32>,
    %mul3A_43 = arith.mulf %mul3A_31, %broadcast_in_dim3A : vector<768x1xf32>
    %reduce_sum3A_44 = vector.shape_cast %mul3A_43 : vector<768x1xf32> to vector<1x768x1xf32>
    %reduce_sum3A_45 = arith.constant dense<0.000000e+00> : vector<1xf32>
    %reduce_sum3A_46 = vector.multi_reduction <add>, %reduce_sum3A_44, %reduce_sum3A_45 [1, 2] : vector<1x768x1xf32> to vector<1xf32>
    %reduce_sum3A_47 = vector.shape_cast %reduce_sum3A_46 : vector<1xf32> to vector<1x1x1xf32>
    %reduce_sum3A_48 = vector.extract %reduce_sum3A_47[0, 0, 0] : f32 from vector<1x1x1xf32>
    %broadcast_in_dim3A_49 = vector.broadcast %reduce_sum3A_48 : f32 to vector<8x128xf32>
    %swap3A_50 = arith.constant 0 : index
    %swap3A_51 = arith.constant 0 : index
    %swap3A_52 = vector.load %arg6[%swap3A_50, %swap3A_51] : memref<8x128xf32, #tpu.memory_space<vmem>>, vector<8x128xf32>
    tpu.vector_store %arg6[%swap3A_50, %swap3A_51], %broadcast_in_dim3A_49 {strides = array<i32>} : memref<8x128xf32, #tpu.memory_space<vmem>>, vector<8x128xf32>,
    return
  }
}

module attributes {stable_mosaic.version = 14 : i64} {
  func.func @_out_body(%arg0: i32, %arg1: memref<2048x104xf32, #tpu.memory_space<vmem>>, %arg2: memref<2048x128xf32, #tpu.memory_space<vmem>>, %arg3: memref<8x128xf32, #tpu.memory_space<vmem>>, %arg4: memref<104x512xf32, #tpu.memory_space<vmem>>, %arg5: memref<128x128xf32, #tpu.memory_space<vmem>>, %arg6: memref<8x128xf32, #tpu.memory_space<vmem>>, %arg7: memref<2048x1xf32, #tpu.memory_space<vmem>>) attributes {dimension_semantics = [#tpu.dimension_semantics<arbitrary>], iteration_bounds = array<i64: 8>, scalar_prefetch = 0 : i64, scratch_operands = 0 : i64, tpu.core_type = #tpu.core_type<tc>, window_params = [{transform_indices = @transform_0, window_bounds = array<i64: 2048, 104>}, {transform_indices = @transform_1, window_bounds = array<i64: 2048, 128>}, {pipeline_mode = #tpu.pipeline_mode<synchronous>, transform_indices = @transform_2, window_bounds = array<i64: 8, 128>}, {pipeline_mode = #tpu.pipeline_mode<synchronous>, transform_indices = @transform_3, window_bounds = array<i64: 104, 512>}, {pipeline_mode = #tpu.pipeline_mode<synchronous>, transform_indices = @transform_4, window_bounds = array<i64: 128, 128>}, {pipeline_mode = #tpu.pipeline_mode<synchronous>, transform_indices = @transform_5, window_bounds = array<i64: 8, 128>}, {transform_indices = @transform_6, window_bounds = array<i64: 2048, 1>}]} {
    %get3A = arith.constant 0 : index
    %get3A_0 = arith.constant 0 : index
    %get3A_1 = vector.load %arg1[%get3A, %get3A_0] : memref<2048x104xf32, #tpu.memory_space<vmem>>, vector<2048x104xf32>
    %get3A_2 = arith.constant 0 : index
    %get3A_3 = arith.constant 0 : index
    %get3A_4 = vector.load %arg2[%get3A_2, %get3A_3] : memref<2048x128xf32, #tpu.memory_space<vmem>>, vector<2048x128xf32>
    %get3A_5 = arith.constant 0 : index
    %get3A_6 = arith.constant 0 : index
    %get3A_7 = vector.load %arg3[%get3A_5, %get3A_6] : memref<8x128xf32, #tpu.memory_space<vmem>>, vector<1x128xf32>
    %mul3A = vector.broadcast %get3A_7 : vector<1x128xf32> to vector<2048x128xf32>
    %mul3A_8 = arith.mulf %get3A_4, %mul3A : vector<2048x128xf32>
    %get3A_9 = arith.constant 0 : index
    %get3A_10 = arith.constant 0 : index
    %get3A_11 = vector.load %arg4[%get3A_9, %get3A_10] : memref<104x512xf32, #tpu.memory_space<vmem>>, vector<104x512xf32>
    %dot_general3A = arith.constant dense<0.000000e+00> : vector<2048x512xf32>
    %dot_general3A_12 = tpu.matmul %get3A_1, %get3A_11, %dot_general3A {dimension_numbers = #tpu.dot_dimension_numbers<[1], [0], [0], [1], [0, 0, 1, 1], [], []>, transpose_lhs_hint = false} : vector<2048x104xf32>, vector<104x512xf32>, vector<2048x512xf32> -> vector<2048x512xf32>
    %get3A_13 = arith.constant 0 : index
    %get3A_14 = arith.constant 0 : index
    %get3A_15 = vector.load %arg5[%get3A_13, %get3A_14] : memref<128x128xf32, #tpu.memory_space<vmem>>, vector<128x128xf32>
    %broadcast_in_dim3A = arith.constant 0.000000e+00 : f32
    %broadcast_in_dim3A_16 = vector.broadcast %broadcast_in_dim3A : f32 to vector<2048x1xf32>
    %slice3A = vector.extract_strided_slice %dot_general3A_12 {offsets = [0, 0], sizes = [2048, 128], strides = [1, 1]} : vector<2048x512xf32> to vector<2048x128xf32>
    %add3A = arith.addf %slice3A, %mul3A_8 : vector<2048x128xf32>
    %dot_general3A_17 = arith.constant dense<0.000000e+00> : vector<2048x128xf32>
    %dot_general3A_18 = tpu.matmul %add3A, %get3A_15, %dot_general3A_17 {dimension_numbers = #tpu.dot_dimension_numbers<[1], [0], [0], [1], [0, 0, 1, 1], [], []>, transpose_lhs_hint = false} : vector<2048x128xf32>, vector<128x128xf32>, vector<2048x128xf32> -> vector<2048x128xf32>
    %mul3A_19 = arith.mulf %dot_general3A_18, %add3A : vector<2048x128xf32>
    %reduce_sum3A = arith.constant dense<0.000000e+00> : vector<2048xf32>
    %reduce_sum3A_20 = vector.multi_reduction <add>, %mul3A_19, %reduce_sum3A [1] : vector<2048x128xf32> to vector<2048xf32>
    %broadcast_in_dim3A_21 = vector.shape_cast %reduce_sum3A_20 : vector<2048xf32> to vector<2048x1xf32>
    %add3A_22 = arith.addf %broadcast_in_dim3A_16, %broadcast_in_dim3A_21 : vector<2048x1xf32>
    %slice3A_23 = vector.extract_strided_slice %dot_general3A_12 {offsets = [0, 128], sizes = [2048, 128], strides = [1, 1]} : vector<2048x512xf32> to vector<2048x128xf32>
    %add3A_24 = arith.addf %slice3A_23, %mul3A_8 : vector<2048x128xf32>
    %dot_general3A_25 = arith.constant dense<0.000000e+00> : vector<2048x128xf32>
    %dot_general3A_26 = tpu.matmul %add3A_24, %get3A_15, %dot_general3A_25 {dimension_numbers = #tpu.dot_dimension_numbers<[1], [0], [0], [1], [0, 0, 1, 1], [], []>, transpose_lhs_hint = false} : vector<2048x128xf32>, vector<128x128xf32>, vector<2048x128xf32> -> vector<2048x128xf32>
    %mul3A_27 = arith.mulf %dot_general3A_26, %add3A_24 : vector<2048x128xf32>
    %reduce_sum3A_28 = arith.constant dense<0.000000e+00> : vector<2048xf32>
    %reduce_sum3A_29 = vector.multi_reduction <add>, %mul3A_27, %reduce_sum3A_28 [1] : vector<2048x128xf32> to vector<2048xf32>
    %broadcast_in_dim3A_30 = vector.shape_cast %reduce_sum3A_29 : vector<2048xf32> to vector<2048x1xf32>
    %add3A_31 = arith.addf %add3A_22, %broadcast_in_dim3A_30 : vector<2048x1xf32>
    %slice3A_32 = vector.extract_strided_slice %dot_general3A_12 {offsets = [0, 256], sizes = [2048, 128], strides = [1, 1]} : vector<2048x512xf32> to vector<2048x128xf32>
    %add3A_33 = arith.addf %slice3A_32, %mul3A_8 : vector<2048x128xf32>
    %dot_general3A_34 = arith.constant dense<0.000000e+00> : vector<2048x128xf32>
    %dot_general3A_35 = tpu.matmul %add3A_33, %get3A_15, %dot_general3A_34 {dimension_numbers = #tpu.dot_dimension_numbers<[1], [0], [0], [1], [0, 0, 1, 1], [], []>, transpose_lhs_hint = false} : vector<2048x128xf32>, vector<128x128xf32>, vector<2048x128xf32> -> vector<2048x128xf32>
    %mul3A_36 = arith.mulf %dot_general3A_35, %add3A_33 : vector<2048x128xf32>
    %reduce_sum3A_37 = arith.constant dense<0.000000e+00> : vector<2048xf32>
    %reduce_sum3A_38 = vector.multi_reduction <add>, %mul3A_36, %reduce_sum3A_37 [1] : vector<2048x128xf32> to vector<2048xf32>
    %broadcast_in_dim3A_39 = vector.shape_cast %reduce_sum3A_38 : vector<2048xf32> to vector<2048x1xf32>
    %add3A_40 = arith.addf %add3A_31, %broadcast_in_dim3A_39 : vector<2048x1xf32>
    %slice3A_41 = vector.extract_strided_slice %dot_general3A_12 {offsets = [0, 384], sizes = [2048, 128], strides = [1, 1]} : vector<2048x512xf32> to vector<2048x128xf32>
    %add3A_42 = arith.addf %slice3A_41, %mul3A_8 : vector<2048x128xf32>
    %dot_general3A_43 = arith.constant dense<0.000000e+00> : vector<2048x128xf32>
    %dot_general3A_44 = tpu.matmul %add3A_42, %get3A_15, %dot_general3A_43 {dimension_numbers = #tpu.dot_dimension_numbers<[1], [0], [0], [1], [0, 0, 1, 1], [], []>, transpose_lhs_hint = false} : vector<2048x128xf32>, vector<128x128xf32>, vector<2048x128xf32> -> vector<2048x128xf32>
    %mul3A_45 = arith.mulf %dot_general3A_44, %add3A_42 : vector<2048x128xf32>
    %reduce_sum3A_46 = arith.constant dense<0.000000e+00> : vector<2048xf32>
    %reduce_sum3A_47 = vector.multi_reduction <add>, %mul3A_45, %reduce_sum3A_46 [1] : vector<2048x128xf32> to vector<2048xf32>
    %broadcast_in_dim3A_48 = vector.shape_cast %reduce_sum3A_47 : vector<2048xf32> to vector<2048x1xf32>
    %add3A_49 = arith.addf %add3A_40, %broadcast_in_dim3A_48 : vector<2048x1xf32>
    %mul3A_50 = arith.constant 5.000000e-01 : f32
    %mul3A_51 = vector.broadcast %mul3A_50 : f32 to vector<2048x1xf32>
    %mul3A_52 = arith.mulf %mul3A_51, %add3A_49 : vector<2048x1xf32>
    %get3A_53 = arith.constant 0 : index
    %get3A_54 = arith.constant 0 : index
    %get3A_55 = vector.load %arg6[%get3A_53, %get3A_54] : memref<8x128xf32, #tpu.memory_space<vmem>>, vector<1x1xf32>
    %sub3A = vector.broadcast %get3A_55 : vector<1x1xf32> to vector<2048x1xf32>
    %sub3A_56 = arith.subf %mul3A_52, %sub3A : vector<2048x1xf32>
    %swap3A = arith.constant 0 : index
    %swap3A_57 = arith.constant 0 : index
    %swap3A_58 = vector.load %arg7[%swap3A, %swap3A_57] : memref<2048x1xf32, #tpu.memory_space<vmem>>, vector<2048x1xf32>
    tpu.vector_store %arg7[%swap3A, %swap3A_57], %sub3A_56 {strides = array<i32>} : memref<2048x1xf32, #tpu.memory_space<vmem>>, vector<2048x1xf32>,
    return
  }
  func.func @transform_0(%arg0: i32) -> (i32, i32) {
    %c0_i32 = arith.constant 0 : i32
    %c0_i32_0 = arith.constant 0 : i32
    return %arg0, %c0_i32 : i32, i32
  }
  func.func @transform_1(%arg0: i32) -> (i32, i32) {
    %c0_i32 = arith.constant 0 : i32
    %c0_i32_0 = arith.constant 0 : i32
    return %arg0, %c0_i32 : i32, i32
  }
  func.func @transform_2(%arg0: i32) -> (i32, i32) {
    %c0_i32 = arith.constant 0 : i32
    %c0_i32_0 = arith.constant 0 : i32
    %c0_i32_1 = arith.constant 0 : i32
    return %c0_i32, %c0_i32_0 : i32, i32
  }
  func.func @transform_3(%arg0: i32) -> (i32, i32) {
    %c0_i32 = arith.constant 0 : i32
    %c0_i32_0 = arith.constant 0 : i32
    %c0_i32_1 = arith.constant 0 : i32
    return %c0_i32, %c0_i32_0 : i32, i32
  }
  func.func @transform_4(%arg0: i32) -> (i32, i32) {
    %c0_i32 = arith.constant 0 : i32
    %c0_i32_0 = arith.constant 0 : i32
    %c0_i32_1 = arith.constant 0 : i32
    return %c0_i32, %c0_i32_0 : i32, i32
  }
  func.func @transform_5(%arg0: i32) -> (i32, i32) {
    %c0_i32 = arith.constant 0 : i32
    %c0_i32_0 = arith.constant 0 : i32
    %c0_i32_1 = arith.constant 0 : i32
    return %c0_i32, %c0_i32_0 : i32, i32
  }
  func.func @transform_6(%arg0: i32) -> (i32, i32) {
    %c0_i32 = arith.constant 0 : i32
    %c0_i32_0 = arith.constant 0 : i32
    return %arg0, %c0_i32 : i32, i32
  }
}

</mosaic_0001>

<sc_bundles>
// kernel: kernel.6.cloned.1.call-start
scs
__scs_entry_jumppad:
0x0: {  	(pc) =	sbr.rel $0x88, $3  }
0x1: {  	(tag) =	ssettag $0x0;
	lr =	simm.s32 $0x1  }
0x2: {  	[smem:$0x3F9D] =	sst lr;
	_ =	strace $0xD0000000  }
0x3: {  	_ = 	snop  }
0x4: {  	_ = 	snop  }
0x5: {  	_ = 	snop  }
0x6: {  	_ = 	snop  }
0x7: {  	_ = 	snop  }
__scs_overlays_trampoline_lowered:
0x8: {  	[smem:$0x3FAC] =	sst s0  }
0x9: {  	[smem:$0x3FAD] =	sst s1  }
0xa: {  	[smem:$0x3FAE] =	sst s2  }
0xb: {  	[smem:$0x3FAF] =	sst s3  }
0xc: {  	[smem:$0x3FB0] =	sst s4  }
0xd: {  	[smem:$0x3FB1] =	sst s5  }
0xe: {  	[smem:$0x3FB2] =	sst s6  }
0xf: {  	[smem:$0x3FB3] =	sst s7  }
0x10: {  	[smem:$0x3FB4] =	sst s8  }
0x11: {  	[smem:$0x3FB5] =	sst s9;
	s0 =	simm.s32 @!p0 $0x0  }
0x12: {  	s1 =	sld [smem:$0x3F9B];
	s0 =	simm.s32 @p0 $0x1  }
0x13: {  	[smem:$0x3FB6] =	sst s0;
	s0 =	simm.s32 @!p1 $0x0  }
0x14: {  	s2 =	sld [smem:$0x3F9A];
	s0 =	simm.s32 @p1 $0x1  }
0x15: {  	[smem:$0x3FB7] =	sst s0;
	s0 =	simm.s32 @!p2 $0x0  }
0x16: {  	s3 =	sld [smem:$0x3FDB];
	s0 =	simm.s32 @p2 $0x1  }
0x17: {  	s4 =	simm.s32 $0x1BF5;
	[smem:$0x3FB9] =	sst s0  }
0x18: {  	s0 =	sld [smem:$0x3F9C];
	_ =	swait.ge [sflag:s4], $0x0  }
0x19: {  	s7 =	sld [smem:$0x3F9D]  }
0x1a: {  	s8 =	sadd.s32 $0xFFFFE003, lr  }
0x1b: {  	s9 =	sadd.s32 $0xFFFFFEF7, lr;
	s5 =	simm.s32 $0xFFFFFFFF;
	p2 =	slt.u32 s8, $0xFFFFF086  }
0x1c: {  	p1 =	slt.u32 s9, $0xF7A;
	s5 =	simm.s32 @!p2 $0x0  }
0x1d: {  	s5 =	simm.s32 @p1 $0x1;
	p0 =	seq.s32 s7, s2  }
0x1e: {  	s7 =	smul.u32 @!p0 $0xF7A, s2;
	p2 =	seq.s32 @!p0 s5, $0x0  }
0x1f: {  	s9 =	smul.u32 $0xF7A, s1;
	s8 =	simm.s32 @!p0 $0x1BF5;
	p2 =	por !p2, p0  }
0x20: {  	[sflag:s8] =	ssyncset.s32 @!p0 $0xFFFFF086;
	s6 =	sadd.s32 @!p0 s3, s7;
	s7 =	simm.s32 @!p0 $0x108  }
0x21: {  	s3 =	sadd.s32 s3, s9;
	s6 =	sadd.s32 @!p0 $0x88, s6;
	s7 =	simm.s32 @p2 $0x1082  }
0x22: {  	[simem:s7], [sflag:s8] =	dma.local @!p0 [hbm:s6], $0xF7A  }
0x23: {  	s9 =	sor.u32 $0xD0000000, s2;
	s6 =	simm.s32 $0x108;
	_ =	swait.ge @!p0 [sflag:s8], $0x0  }
0x24: {  	s3 =	sadd.s32 $0x88, s3;
	s6 =	simm.s32 @!p1 $0x1082;
	[sflag:s4] =	ssyncset.s32 $0xFFFFF086  }
0x25: {  	[simem:s6], [sflag:s4] =	dma.local [hbm:s3], $0xF7A  }
0x26: {  	[smem:$0x3F9D] =	sst s1;
	(tag) =	ssettag s2;
	_ =	strace s9  }
0x27: {  	s1 =	sld [smem:$0x3FAD]  }
0x28: {  	s2 =	sld [smem:$0x3FAE]  }
0x29: {  	s4 =	sld [smem:$0x3FB0]  }
0x2a: {  	p0 =	seq.s32 s5, $0x0;
	s5 =	sld [smem:$0x3FB1]  }
0x2b: {  	s6 =	sld [smem:$0x3FB2]  }
0x2c: {  	s7 =	sld [smem:$0x3FB3]  }
0x2d: {  	s3 =	simm.s32 $0x108;
	s8 =	sld [smem:$0x3FB4]  }
0x2e: {  	s3 =	simm.s32 @!p0 $0x1082;
	s9 =	sld [smem:$0x3FB5]  }
0x2f: {  	lr =	sadd.s32 s0, s3;
	s0 =	sld [smem:$0x3FAC]  }
0x30: {  	s3 =	sld [smem:$0x3FAF]  }
0x31: {  	[smem:$0x3FB8] =	sst s10  }
0x32: {  	s10 =	sld [smem:$0x3FB6];
	_ =	sdelay $0x3  }
0x33: {  	p0 =	seq.s32 s10, $0x1;
	s10 =	sld [smem:$0x3FB8];
	_ =	sdelay $0x3  }
0x34: {  	[smem:$0x3FB8] =	sst s10  }
0x35: {  	s10 =	sld [smem:$0x3FB7];
	_ =	sdelay $0x3  }
0x36: {  	p1 =	seq.s32 s10, $0x1;
	s10 =	sld [smem:$0x3FB8];
	_ =	sdelay $0x3  }
0x37: {  	[smem:$0x3FB8] =	sst s10  }
0x38: {  	s10 =	sld [smem:$0x3FB9]  }
0x39: {  	_ = 	snop;
	(pc) =	sbr.ind lr, $3  }
0x3a: {  	_ = 	snop  }
0x3b: {  	_ = 	snop  }
0x3c: {  	p2 =	seq.s32 s10, $0x1;
	s10 =	sld [smem:$0x3FB8]  }
0x3d: {  	_ =	shalt  }
0x3e: {  	_ =	shalt  }
0x3f: {  	_ =	shalt  }
0x40: {  	_ =	shalt  }
0x41: {  	_ =	shalt  }
0x42: {  	_ =	shalt  }
0x43: {  	_ =	shalt  }
0x44: {  	_ =	shalt  }
0x45: {  	_ =	shalt  }
0x46: {  	_ =	shalt  }
0x47: {  	_ =	shalt  }
0x48: {  	_ =	shalt  }
0x49: {  	_ =	shalt  }
0x4a: {  	_ =	shalt  }
0x4b: {  	_ =	shalt  }
0x4c: {  	_ =	shalt  }
0x4d: {  	_ =	shalt  }
0x4e: {  	_ =	shalt  }
0x4f: {  	_ =	shalt  }
0x50: {  	_ =	shalt  }
0x51: {  	_ =	shalt  }
0x52: {  	_ =	shalt  }
0x53: {  	_ =	shalt  }
0x54: {  	_ =	shalt  }
0x55: {  	_ =	shalt  }
0x56: {  	_ =	shalt  }
0x57: {  	_ =	shalt  }
0x58: {  	_ =	shalt  }
0x59: {  	_ =	shalt  }
0x5a: {  	_ =	shalt  }
0x5b: {  	_ =	shalt  }
0x5c: {  	_ =	shalt  }
0x5d: {  	_ =	shalt  }
0x5e: {  	_ =	shalt  }
0x5f: {  	_ =	shalt  }
0x60: {  	_ =	shalt  }
0x61: {  	_ =	shalt  }
0x62: {  	_ =	shalt  }
0x63: {  	_ =	shalt  }
0x64: {  	_ =	shalt  }
0x65: {  	_ =	shalt  }
0x66: {  	_ =	shalt  }
0x67: {  	_ =	shalt  }
0x68: {  	_ =	shalt  }
0x69: {  	_ =	shalt  }
0x6a: {  	_ =	shalt  }
0x6b: {  	_ =	shalt  }
0x6c: {  	_ =	shalt  }
0x6d: {  	_ =	shalt  }
0x6e: {  	_ =	shalt  }
0x6f: {  	_ =	shalt  }
0x70: {  	_ =	shalt  }
0x71: {  	_ =	shalt  }
0x72: {  	_ =	shalt  }
0x73: {  	_ =	shalt  }
0x74: {  	_ =	shalt  }
0x75: {  	_ =	shalt  }
0x76: {  	_ =	shalt  }
0x77: {  	_ =	shalt  }
0x78: {  	_ =	shalt  }
0x79: {  	_ =	shalt  }
0x7a: {  	_ =	shalt  }
0x7b: {  	_ =	shalt  }
0x7c: {  	_ =	shalt  }
0x7d: {  	_ =	shalt  }
0x7e: {  	_ =	shalt  }
0x7f: {  	_ =	shalt  }
0x80: {  	_ =	shalt  }
0x81: {  	_ =	shalt  }
0x82: {  	_ =	shalt  }
0x83: {  	_ =	shalt  }
0x84: {  	_ =	shalt  }
0x85: {  	_ =	shalt  }
0x86: {  	_ =	shalt  }
0x87: {  	_ =	shalt  }
.Lfunc_end0:
.L_simem_size_0:
called_computation_lowered:
.L_overlay_start_0:
0x88: {  	s2 =	sld [smem:$0x3FD9]  }
0x89: {  	s3 =	sld [smem:$0x3FFE];
	_ =	sdelay $0x1  }
0x8a: {  	s1 =	srdreg.scid  }
0x8b: {  	s0 =	sand.u32 $0x1, s1  }
0x8c: {  	s16 =	sshll.u32 s0, $0xA;
	s2 =	sadd.s32 s3, s2  }
0x8d: {  	s2 =	sadd.s32 s2, s16  }
0x8e: {  	[smem:$0x3FC4] =	sst s2  }
0x8f: {  	_ = 	snop  }
0x90: {  	(tm) =	ssettm $0x1  }
0x91: {  	s17 =	sld [smem:$0x3FFB];
	_ =	sdelay $0x3  }
0x92: {  	_ =	strace s17  }
0x93: {  	s2 =	sld [smem:$0x3FFC];
	_ =	sdelay $0x3  }
0x94: {  	_ =	strace s2  }
0x95: {  	s2 =	sld [smem:$0x3FFD];
	_ =	sdelay $0x3  }
0x96: {  	_ =	strace s2  }
0x97: {  	_ =	strace $0x8FFFFFFF  }
0x98: {  	s18 =	sld [smem:$0x3FDB];
	_ =	sdelay $0x1  }
0x99: {  	s19 =	simm.s32 $_scs_section_size  }
0x9a: {  	s4 =	simm.s32 $_size__tile_overlayer_lowered;
	s5 =	simm.s32 $_tile_overlayer_lowered  }
0x9b: {  	s22 =	simm.s32 $0x1BFF;
	s21 =	sshll.u32 s5, $0x1;
	s2 =	sadd.s32 s19, s18  }
0x9c: {  	s6 =	simm.s32 $0x0;
	s20 =	sshll.u32 s4, $0x1;
	s4 =	sadd.s32 s21, s2  }
0x9d: {  	[timem:s6], [sflag:s22] =	dma.local [hbm:s4], s20  }
0x9e: {  	_ =	swait.ge [sflag:s22], s20  }
0x9f: {  	s3 =	ssub.s32 $0x0, s20;
	[sflag:s22] =	ssyncset.done $0x0  }
0xa0: {  	[sflag:s22] =	ssyncadd.s32 s3;
	_ =	sdelay $0x1  }
0xa1: {  	s23 =	simm.s32 $0x1B8B  }
0xa2: {  	_ =	swait.ge [sflag:s23], $0x1  }
0xa3: {  	[sflag:s23] =	ssyncset.done $0x0  }
0xa4: {  	s25 =	simm.s32 $0x1B8E;
	s24 =	sld [smem:$0x3FFE];
	[sflag:s23] =	ssyncadd.s32 $0xFFFFFFFF  }
0xa5: {  	s26 =	simm.s32 $execute0_lowered;
	[smem:$0x3FD2] =	sst s25  }
0xa6: {  	s4 =	sshll.u32 s26, $0x1;
	_ =	strace $0x80000046;
	[dreg:$0x1] =	wrdreg $0xFFFFFFFF  }
0xa7: {  	s28 =	simm.s32 $_size_execute0_lowered;
	s2 =	sadd.s32 s2, s4;
	[dreg:$0x0] =	wrdreg $0x0  }
0xa8: {  	s4 =	sshll.u32 s28, $0x1;
	[dreg:$0x2] =	wrdreg s2  }
0xa9: {  	[dreg:$0x3] =	wrdreg s4  }
0xaa: {  	[dreg:$0x4] =	wrdreg $0xC0  }
0xab: {  	_ =	task [dreg:s6], $0x5FFFF  }
0xac: {  	[dreg:$0x1] =	wrdreg $0xFFFFFFFF  }
0xad: {  	[dreg:$0x0] =	wrdreg $0x60  }
0xae: {  	[dreg:$0x2] =	wrdreg s24  }
0xaf: {  	[dreg:$0x3] =	wrdreg $0x9  }
0xb0: {  	_ =	task.clear_ibuf [dreg:s6], $0x4FFFF;
	_ =	strace $0x90000046  }
0xb1: {  	s29 =	simm.s32 $0x9;
	_ =	strace $0x80000048  }
0xb2: {  	_ =	swait.ge [sflag:s29], $0x1  }
0xb3: {  	[sflag:s29] =	ssyncadd.s32 $0xFFFFFFFF  }
0xb4: {  	_ =	strace $0x90000048  }
0xb5: {  	_ =	sfence  }
0xb6: {  	s30 =	sld [smem:$0x0];
	_ =	sdelay $0x2  }
0xb7: {  	s31 =	sshll.u32 s1, $0xD;
	s1 =	sshrl.u32 s1, $0x2  }
0xb8: {  	s3 =	sand.u32 $0x4000, s31;
	s1 =	sadd.s32 s1, s30  }
0xb9: {  	s0 =	sor.u32 s3, s0;
	s1 =	sshll.u32 s1, $0x11  }
0xba: {  	s0 =	sor.u32 s1, s0  }
0xbb: {  	s0 =	sadd.s32 $0x8F2B, s0  }
0xbc: {  	[sflag:s0] =	ssyncadd.remote.s32 $0x1  }
0xbd: {  	_ =	sfence.sel $0xFFFF  }
0xbe: {  	[dreg:$0x0] =	wrdreg $0xFFFFFFFF;
	(pc) =	sbr.abs _section_cstart, $3  }
0xbf: {  	[dreg:$0x1] =	wrdreg $0xFFFFFFFF  }
0xc0: {  	_ =	task.clear_ibuf [dreg:s6], $0x2FFFF;
	_ =	strace $0x9FFFFFFF  }
0xc1: {  	(tm) =	ssettm $0x7FFFFFFF  }
tec
execute0_lowered:
.L_overlay_start_1:
0x0: {  	(tag) =	ssettag $0x1  }
0x1: {  	s1 =	srdreg.scid  }
0x2: {  	s0 =	stileid.u32;
	s4 =	rddreg [dreg:$0x0]  }
0x3: {  	s2 =	simm.s32 $0x0;
	s7 =	simm.s32 $0x2;
	s8 =	simm.s32 $0x80  }
0x4: {  	s9 =	simm.s32 $0x1;
	s3 =	sand.u32 $0x1, s1;
	s5 =	sshll.u32 s0, $0x1  }
0x5: {  	s10 =	simm.s32 $0xD000;
	s11 =	simm.s32 $0x0;
	s5 =	sor.u32 s3, s5  }
0x6: {  	[smem:$0x7FF] =	sst s2;
	s6 =	ssub.s32 $0x2, s3;
	s5 =	smul.u32 $0x1A00, s5  }
0x7: {  	s1 =	rddreg [dreg:$0x1];
	_ =	strace $0x80000047;
	s31 =	sshrl.u32 s6, $0x1  }
0x8: {  	s3 =	sadd.s32 $0x27CA00, s4;
	s6 =	ssub.s32 s6, s31;
	s5 =	sadd.s32 s5, s4  }
0x9: {  	s6 =	smax.u32 s6, $0x1;
	s4 =	sadd.s32 $0x801C00, s5;
	s5 =	sadd.s32 $0x1C00, s5  }
.LBB2_1:
0xa: {  	[tilespmem:s2], [sflag:$0x2] =	stream.linear.gather [hbm4b:s4+s2], $0xD000, $0x38;
	[tilespmem:$0x1A000] =	vst v63  }
0xb: {  	_ =	swait.ge [sflag:s7], $0xD000  }
0xc: {  	[sflag:s7] =	ssyncset.done $0x0  }
0xd: {  	s12 =	simm.s32 $0x0;
	s13 =	simm.s32 $0xD000;
	[sflag:s7] =	ssyncadd.s32 $0xFFFF3000  }
0xe: {  	[tilespmem:s13], [sflag:$0x1] =	stream.indirect.gather [hbm4b:s3+s8], $0x1, s12, s8, $0xb8;
	[tilespmem:$0x1A000] =	vst v63  }
0xf: {  	s17 =	simm.s32 $0xD080;
	s18 =	simm.s32 $0x80  }
0x10: {  	[tilespmem:s17], [sflag:$0x1] =	stream.indirect.gather [hbm4b:s3+s8], $0x1, s18, s8, $0xb8;
	[tilespmem:$0x1A000] =	vst v63  }
0x11: {  	s19 =	simm.s32 $0xD100;
	s20 =	simm.s32 $0x100  }
0x12: {  	[tilespmem:s19], [sflag:$0x1] =	stream.indirect.gather [hbm4b:s3+s8], $0x1, s20, s8, $0xb8;
	[tilespmem:$0x1A000] =	vst v63  }
0x13: {  	s21 =	simm.s32 $0xD180;
	s22 =	simm.s32 $0x180  }
0x14: {  	[tilespmem:s21], [sflag:$0x1] =	stream.indirect.gather [hbm4b:s3+s8], $0x1, s22, s8, $0xb8;
	[tilespmem:$0x1A000] =	vst v63  }
0x15: {  	s23 =	simm.s32 $0xD200;
	s24 =	simm.s32 $0x200  }
0x16: {  	[tilespmem:s23], [sflag:$0x1] =	stream.indirect.gather [hbm4b:s3+s8], $0x1, s24, s8, $0xb8;
	[tilespmem:$0x1A000] =	vst v63  }
0x17: {  	s25 =	simm.s32 $0xD280;
	s26 =	simm.s32 $0x280  }
0x18: {  	[tilespmem:s25], [sflag:$0x1] =	stream.indirect.gather [hbm4b:s3+s8], $0x1, s26, s8, $0xb8;
	[tilespmem:$0x1A000] =	vst v63  }
0x19: {  	s28 =	simm.s32 $0xD300;
	s29 =	simm.s32 $0x300  }
0x1a: {  	[tilespmem:s28], [sflag:$0x1] =	stream.indirect.gather [hbm4b:s3+s8], $0x1, s29, s8, $0xb8;
	[tilespmem:$0x1A000] =	vst v63  }
0x1b: {  	s30 =	simm.s32 $0xD380;
	s31 =	simm.s32 $0x380  }
0x1c: {  	[tilespmem:s30], [sflag:$0x1] =	stream.indirect.gather [hbm4b:s3+s8], $0x1, s31, s8, $0xb8;
	[tilespmem:$0x1A000] =	vst v63  }
0x1d: {  	_ =	swait.ge [sflag:s9], $0x80  }
0x1e: {  	[sflag:s9] =	ssyncset.done $0x0  }
0x1f: {  	[sflag:s9] =	ssyncadd.s32 $0xFFFFFF80  }
0x20: {  	_ =	swait.ge [sflag:s9], $0x80  }
0x21: {  	[sflag:s9] =	ssyncset.done $0x0  }
0x22: {  	[sflag:s9] =	ssyncadd.s32 $0xFFFFFF80  }
0x23: {  	_ =	swait.ge [sflag:s9], $0x80  }
0x24: {  	[sflag:s9] =	ssyncset.done $0x0  }
0x25: {  	[sflag:s9] =	ssyncadd.s32 $0xFFFFFF80  }
0x26: {  	_ =	swait.ge [sflag:s9], $0x80  }
0x27: {  	[sflag:s9] =	ssyncset.done $0x0  }
0x28: {  	[sflag:s9] =	ssyncadd.s32 $0xFFFFFF80  }
0x29: {  	_ =	swait.ge [sflag:s9], $0x80  }
0x2a: {  	[sflag:s9] =	ssyncset.done $0x0  }
0x2b: {  	[sflag:s9] =	ssyncadd.s32 $0xFFFFFF80  }
0x2c: {  	_ =	swait.ge [sflag:s9], $0x80  }
0x2d: {  	[sflag:s9] =	ssyncset.done $0x0  }
0x2e: {  	[sflag:s9] =	ssyncadd.s32 $0xFFFFFF80  }
0x2f: {  	_ =	swait.ge [sflag:s9], $0x80  }
0x30: {  	[sflag:s9] =	ssyncset.done $0x0  }
0x31: {  	[sflag:s9] =	ssyncadd.s32 $0xFFFFFF80  }
0x32: {  	_ =	swait.ge [sflag:s9], $0x80  }
0x33: {  	s15 =	simm.s32 $0x2000;
	s14 =	simm.s32 $0x400;
	[sflag:s9] =	ssyncset.done $0x0  }
.LBB2_2:
0x34: {  	s16 =	sadd.s32 $0xD000, s14  }
0x35: {  	[sflag:s9] =	ssyncadd.s32 $0xFFFFFF80;
	s13 =	smov.u32 s15;
	s12 =	sadd.s32 $0x1000, s15  }
0x36: {  	[tilespmem:s16], [sflag:$0x1] =	stream.indirect.gather [hbm4b:s3+s8], $0x1, s14, s8, $0xb8;
	[tilespmem:$0x1A000] =	vst v63  }
0x37: {  	p0 =	sne.s32 s15, $0x33000;
	s15 =	sadd.s32 $0xD080, s14;
	s16 =	sadd.s32 $0x80, s14  }
0x38: {  	[tilespmem:s15], [sflag:$0x1] =	stream.indirect.gather [hbm4b:s3+s8], $0x1, s16, s8, $0xb8;
	[tilespmem:$0x1A000] =	vst v63  }
0x39: {  	s15 =	sadd.s32 $0xD100, s14;
	s16 =	sadd.s32 $0x100, s14  }
0x3a: {  	[tilespmem:s15], [sflag:$0x1] =	stream.indirect.gather [hbm4b:s3+s8], $0x1, s16, s8, $0xb8;
	[tilespmem:$0x1A000] =	vst v63  }
0x3b: {  	s15 =	sadd.s32 $0xD180, s14;
	s16 =	sadd.s32 $0x180, s14  }
0x3c: {  	[tilespmem:s15], [sflag:$0x1] =	stream.indirect.gather [hbm4b:s3+s8], $0x1, s16, s8, $0xb8;
	[tilespmem:$0x1A000] =	vst v63  }
0x3d: {  	s15 =	sadd.s32 $0xD200, s14;
	s16 =	sadd.s32 $0x200, s14  }
0x3e: {  	[tilespmem:s15], [sflag:$0x1] =	stream.indirect.gather [hbm4b:s3+s8], $0x1, s16, s8, $0xb8;
	[tilespmem:$0x1A000] =	vst v63  }
0x3f: {  	s15 =	sadd.s32 $0xD280, s14;
	s16 =	sadd.s32 $0x280, s14  }
0x40: {  	[tilespmem:s15], [sflag:$0x1] =	stream.indirect.gather [hbm4b:s3+s8], $0x1, s16, s8, $0xb8;
	[tilespmem:$0x1A000] =	vst v63  }
0x41: {  	s15 =	sadd.s32 $0xD300, s14;
	s16 =	sadd.s32 $0x300, s14  }
0x42: {  	[tilespmem:s15], [sflag:$0x1] =	stream.indirect.gather [hbm4b:s3+s8], $0x1, s16, s8, $0xb8;
	[tilespmem:$0x1A000] =	vst v63  }
0x43: {  	s15 =	sadd.s32 $0xD380, s14;
	s14 =	sadd.s32 $0x380, s14  }
0x44: {  	[tilespmem:s15], [sflag:$0x1] =	stream.indirect.gather [hbm4b:s3+s8], $0x1, s14, s8, $0xb8;
	[tilespmem:$0x1A000] =	vst v63  }
0x45: {  	_ =	swait.ge [sflag:s9], $0x80  }
0x46: {  	[sflag:s9] =	ssyncset.done $0x0  }
0x47: {  	[sflag:s9] =	ssyncadd.s32 $0xFFFFFF80  }
0x48: {  	_ =	swait.ge [sflag:s9], $0x80  }
0x49: {  	[sflag:s9] =	ssyncset.done $0x0  }
0x4a: {  	[sflag:s9] =	ssyncadd.s32 $0xFFFFFF80  }
0x4b: {  	_ =	swait.ge [sflag:s9], $0x80  }
0x4c: {  	[sflag:s9] =	ssyncset.done $0x0  }
0x4d: {  	[sflag:s9] =	ssyncadd.s32 $0xFFFFFF80  }
0x4e: {  	_ =	swait.ge [sflag:s9], $0x80  }
0x4f: {  	[sflag:s9] =	ssyncset.done $0x0  }
0x50: {  	[sflag:s9] =	ssyncadd.s32 $0xFFFFFF80  }
0x51: {  	_ =	swait.ge [sflag:s9], $0x80  }
0x52: {  	[sflag:s9] =	ssyncset.done $0x0  }
0x53: {  	[sflag:s9] =	ssyncadd.s32 $0xFFFFFF80  }
0x54: {  	_ =	swait.ge [sflag:s9], $0x80  }
0x55: {  	[sflag:s9] =	ssyncset.done $0x0  }
0x56: {  	[sflag:s9] =	ssyncadd.s32 $0xFFFFFF80  }
.Ltmp0:
0x57: {  	_ =	swait.ge [sflag:s9], $0x80;
	(pc) =	sbr.rel @p0 .LBB2_2-.Ltmp0, $4  }
0x58: {  	[sflag:s9] =	ssyncset.done $0x0  }
0x59: {  	[sflag:s9] =	ssyncadd.s32 $0xFFFFFF80  }
0x5a: {  	_ =	swait.ge [sflag:s9], $0x80  }
0x5b: {  	s14 =	sshra.s32 s13, $0x2;
	s15 =	smov.u32 s12;
	[sflag:s9] =	ssyncset.done $0x0  }
0x5c: {  	s12 =	sadd.s32 $0xD000, s14;
	[sflag:s9] =	ssyncadd.s32 $0xFFFFFF80  }
0x5d: {  	[tilespmem:s12], [sflag:$0x1] =	stream.indirect.gather [hbm4b:s3+s8], $0x1, s14, s8, $0xb8;
	[tilespmem:$0x1A000] =	vst v63  }
0x5e: {  	s18 =	sadd.s32 $0xD080, s14;
	s13 =	sadd.s32 $0x80, s14  }
0x5f: {  	[tilespmem:s18], [sflag:$0x1] =	stream.indirect.gather [hbm4b:s3+s8], $0x1, s13, s8, $0xb8;
	[tilespmem:$0x1A000] =	vst v63  }
0x60: {  	s19 =	sadd.s32 $0xD100, s14;
	s20 =	sadd.s32 $0x100, s14  }
0x61: {  	[tilespmem:s19], [sflag:$0x1] =	stream.indirect.gather [hbm4b:s3+s8], $0x1, s20, s8, $0xb8;
	[tilespmem:$0x1A000] =	vst v63  }
0x62: {  	s21 =	sadd.s32 $0xD180, s14;
	s22 =	sadd.s32 $0x180, s14  }
0x63: {  	[tilespmem:s21], [sflag:$0x1] =	stream.indirect.gather [hbm4b:s3+s8], $0x1, s22, s8, $0xb8;
	[tilespmem:$0x1A000] =	vst v63  }
0x64: {  	s23 =	sadd.s32 $0xD200, s14;
	s24 =	sadd.s32 $0x200, s14  }
0x65: {  	[tilespmem:s23], [sflag:$0x1] =	stream.indirect.gather [hbm4b:s3+s8], $0x1, s24, s8, $0xb8;
	[tilespmem:$0x1A000] =	vst v63  }
0x66: {  	s25 =	sadd.s32 $0xD280, s14;
	s26 =	sadd.s32 $0x280, s14  }
0x67: {  	[tilespmem:s25], [sflag:$0x1] =	stream.indirect.gather [hbm4b:s3+s8], $0x1, s26, s8, $0xb8;
	[tilespmem:$0x1A000] =	vst v63  }
0x68: {  	s28 =	sadd.s32 $0xD300, s14;
	s29 =	sadd.s32 $0x300, s14  }
0x69: {  	[tilespmem:s28], [sflag:$0x1] =	stream.indirect.gather [hbm4b:s3+s8], $0x1, s29, s8, $0xb8;
	[tilespmem:$0x1A000] =	vst v63  }
0x6a: {  	s30 =	sadd.s32 $0xD380, s14;
	s31 =	sadd.s32 $0x380, s14  }
0x6b: {  	[tilespmem:s30], [sflag:$0x1] =	stream.indirect.gather [hbm4b:s3+s8], $0x1, s31, s8, $0xb8;
	[tilespmem:$0x1A000] =	vst v63  }
0x6c: {  	_ =	swait.ge [sflag:s9], $0x80  }
0x6d: {  	[sflag:s9] =	ssyncset.done $0x0  }
0x6e: {  	[sflag:s9] =	ssyncadd.s32 $0xFFFFFF80  }
0x6f: {  	_ =	swait.ge [sflag:s9], $0x80  }
0x70: {  	[sflag:s9] =	ssyncset.done $0x0  }
0x71: {  	[sflag:s9] =	ssyncadd.s32 $0xFFFFFF80  }
0x72: {  	_ =	swait.ge [sflag:s9], $0x80  }
0x73: {  	[sflag:s9] =	ssyncset.done $0x0  }
0x74: {  	[sflag:s9] =	ssyncadd.s32 $0xFFFFFF80  }
0x75: {  	_ =	swait.ge [sflag:s9], $0x80  }
0x76: {  	[sflag:s9] =	ssyncset.done $0x0  }
0x77: {  	[sflag:s9] =	ssyncadd.s32 $0xFFFFFF80  }
0x78: {  	_ =	swait.ge [sflag:s9], $0x80  }
0x79: {  	[sflag:s9] =	ssyncset.done $0x0  }
0x7a: {  	[sflag:s9] =	ssyncadd.s32 $0xFFFFFF80  }
0x7b: {  	_ =	swait.ge [sflag:s9], $0x80  }
0x7c: {  	[sflag:s9] =	ssyncset.done $0x0  }
0x7d: {  	[sflag:s9] =	ssyncadd.s32 $0xFFFFFF80  }
0x7e: {  	_ =	swait.ge [sflag:s9], $0x80  }
0x7f: {  	[sflag:s9] =	ssyncset.done $0x0  }
0x80: {  	[sflag:s9] =	ssyncadd.s32 $0xFFFFFF80  }
0x81: {  	s11 =	sadd.s32 $0x1, s11;
	_ =	swait.ge [sflag:s9], $0x80  }
0x82: {  	p0 =	sne.s32 s11, s6;
	[sflag:s9] =	ssyncset.done $0x0  }
.Ltmp1:
0x83: {  	[sflag:s9] =	ssyncadd.s32 $0xFFFFFF80;
	(pc) =	sbr.rel @p0 .LBB2_1-.Ltmp1, $4  }
0x84: {  	[hbm4b:s5+s2] =	stream.linear.scatter [tilespmem:s10], [sflag:$0x2], $0xD000, $0x38;
	[tilespmem:$0x1A000] =	vst v63  }
0x85: {  	_ =	swait.ge [sflag:s7], $0xD000  }
0x86: {  	[sflag:s7] =	ssyncset.done $0x0  }
0x87: {  	[sflag:s7] =	ssyncadd.s32 $0xFFFF3000  }
0x88: {  	_ =	sfence.sel $0x180000  }
0x89: {  	[bflag:$0x0] =	sbarrier.arrive $0xFFFF  }
0x8a: {  	p0 =	sne.s32 s0, $0x0;
	_ =	strace $0x90000047  }
0x8b: {  	s0 =	sadd.s32 @!p0 $0x100000, s1;
	[bflag:$0x2] =	sbarrier.arrive $0xFFFF  }
0x8c: {  	[sflag:s0] =	ssyncadd.tile.s32 @!p0 $0x1;
	_ =	shalt  }
.Lfunc_end2:
_tile_overlayer_lowered:
.L_overlay_start_2:
0x8d: {  	(tag) =	ssettag $0x2  }
0x8e: {  	s0 =	rddreg [dreg:$0x0];
	s2 =	stileid.u32  }
0x8f: {  	s1 =	rddreg [dreg:$0x1];
	p0 =	sne.s32 s2, $0x0  }
0x90: {  	s3 =	rddreg [dreg:$0x2];
	[bflag:$0x3] =	sbarrier.arrive $0xFFFF;
	s2 =	simm.s32 @!p0 $0x1C02  }
0x91: {  	[timem:s3], [sflag:s2] =	dma.local @!p0 [hbm:s0], s1  }
0x92: {  	s0 =	simm.s32 @!p0 $0x2  }
0x93: {  	_ =	swait.ge @!p0 [sflag:s0], s1  }
0x94: {  	s1 =	ssub.s32 @!p0 $0x0, s1;
	[sflag:s0] =	ssyncset.done @!p0 $0x0  }
0x95: {  	[sflag:s0] =	ssyncadd.s32 @!p0 s1  }
0x96: {  	[bflag:$0x3] =	sbarrier.arrive $0xFFFF  }
0x97: {  	_ =	shalt  }

</sc_bundles>
